<compile_context>
chip_gen: v7x
topology: tpu7x:2x2x1
jax: 0.10.2.dev20260603
libtpu: 0.0.44.dev20260713+nightly
codegen_flags: <defaults>
</compile_context>

<pallas_src>
import functools
import math

import jax
import jax.numpy as jnp
from jax import lax
from jax.experimental import pallas as pl
from jax.experimental.pallas import tpu as pltpu
from jax.experimental.pallas import tpu_sc as plsc

MARGIN = 9.0

NC = 2
NS = 16
NW = NC * NS
LANES = 16

NUM_EDGES = 320000
D = 128
DH = D // 2
EDGES_PER_WORKER = NUM_EDGES // NW
CHUNK = 80
NCHUNKS = EDGES_PER_WORKER // CHUNK
GROUPS = CHUNK // LANES


def _sqrt_nr(x):
  i = plsc.bitcast(x, jnp.int32)
  i = jnp.int32(0x5F3759DF) - (i >> 1)
  y = plsc.bitcast(i, jnp.float32)
  xh = x * 0.5
  y = y * (1.5 - xh * y * y)
  y = y * (1.5 - xh * y * y)
  return x * y


def _body(node_hbm, hidx_hbm, tidx_hbm, rel_hbm, cos_hbm, sin_hbm,
          scale_hbm, bias_hbm, out_hbm,
          hidx_v, tidx_v, rel_v, head_v, tail_v, cos_v, sin_v, sb_v,
          out_v, sem_h, sem_t):
  wid = lax.axis_index("s") * NC + lax.axis_index("c")

  pltpu.sync_copy(cos_hbm, cos_v)
  pltpu.sync_copy(sin_hbm, sin_v)
  pltpu.sync_copy(scale_hbm, sb_v.at[0])
  pltpu.sync_copy(bias_hbm, sb_v.at[1])
  scale = sb_v[0, :]
  biasv = sb_v[1, :]

  iota = lax.iota(jnp.int32, LANES)
  worker_base = wid * EDGES_PER_WORKER

  def chunk_body(c, carry):
    base = pl.multiple_of(worker_base + c * CHUNK, 16)
    pltpu.sync_copy(hidx_hbm.at[pl.ds(base, CHUNK)], hidx_v)
    pltpu.sync_copy(tidx_hbm.at[pl.ds(base, CHUNK)], tidx_v)
    pltpu.sync_copy(rel_hbm.at[pl.ds(base, CHUNK)], rel_v)
    cp_h = pltpu.make_async_copy(node_hbm.at[hidx_v], head_v, sem_h)
    cp_t = pltpu.make_async_copy(node_hbm.at[tidx_v], tail_v, sem_t)
    cp_h.start()
    cp_t.start()
    cp_h.wait()
    cp_t.wait()

    for g in range(GROUPS):
      ev = iota + (g * LANES)
      rv = rel_v[pl.ds(g * LANES, LANES)]

      def jbody(j, acc):
        jv = jnp.full((LANES,), 0, jnp.int32) + j
        jv64 = jv + DH
        re_h = plsc.load_gather(head_v, [ev, jv])
        im_h = plsc.load_gather(head_v, [ev, jv64])
        re_t = plsc.load_gather(tail_v, [ev, jv])
        im_t = plsc.load_gather(tail_v, [ev, jv64])
        cosv = plsc.load_gather(cos_v, [rv, jv])
        sinv = plsc.load_gather(sin_v, [rv, jv])
        re_s = re_h * cosv - im_h * sinv
        im_s = re_h * sinv + im_h * cosv
        rd = re_s - re_t
        im_d = im_s - im_t
        d2 = rd * rd + im_d * im_d
        d2 = jnp.maximum(d2, 1e-30)
        return acc + _sqrt_nr(d2)

      acc = lax.fori_loop(0, DH, jbody, jnp.zeros((LANES,), jnp.float32))
      out_v[pl.ds(g * LANES, LANES)] = acc * scale + biasv

    pltpu.sync_copy(out_v, out_hbm.at[pl.ds(base, CHUNK)])
    return carry

  lax.fori_loop(0, NCHUNKS, chunk_body, jnp.int32(0))


def kernel(node_embeddings, edge_index, relation_type, rel_weight,
           temperature, bias):
  phase = rel_weight * (math.pi / MARGIN)
  cos_t = jnp.cos(phase)
  sin_t = jnp.sin(phase)
  h_idx = edge_index[0]
  t_idx = edge_index[1]
  scale_vec = jnp.full((LANES,), -1.0 / DH, jnp.float32) / temperature
  bias_vec = jnp.full((LANES,), 1.0, jnp.float32) * bias

  mesh = plsc.VectorSubcoreMesh(
      core_axis_name="c", subcore_axis_name="s",
      num_cores=NC, num_subcores=NS)
  run = pl.kernel(
      _body,
      out_type=jax.ShapeDtypeStruct((NUM_EDGES,), jnp.float32),
      mesh=mesh,
      scratch_types=[
          pltpu.VMEM((CHUNK,), jnp.int32),
          pltpu.VMEM((CHUNK,), jnp.int32),
          pltpu.VMEM((CHUNK,), jnp.int32),
          pltpu.VMEM((CHUNK, D), jnp.float32),
          pltpu.VMEM((CHUNK, D), jnp.float32),
          pltpu.VMEM((DH, DH), jnp.float32),
          pltpu.VMEM((DH, DH), jnp.float32),
          pltpu.VMEM((2, LANES), jnp.float32),
          pltpu.VMEM((CHUNK,), jnp.float32),
          pltpu.SemaphoreType.DMA,
          pltpu.SemaphoreType.DMA,
      ],
      compiler_params=pltpu.CompilerParams(needs_layout_passes=False),
      name="rotate_head_score_sc",
  )
  return run(node_embeddings, h_idx, t_idx, relation_type,
             cos_t, sin_t, scale_vec, bias_vec)

# --- scband reference (transcript-rebuilt; emitter-appended) ---
"""Pipeline reference for scband-rotat-ehead-68599217652387 (READ-ONLY COPY).

The authoritative reference and input builder live on the scoring server;
editing this copy changes nothing except your own understanding.
"""

import jax, jax.numpy as jnp
import numpy as np

MARGIN = 9.0


def setup_inputs(seed: int = 0) -> dict:
    key = jax.random.key(seed)
    k1, k2, k3, k4 = jax.random.split(key, 4)
    node_embeddings = jax.random.normal(k1, (10000, 128), dtype=jnp.float32)
    edge_index = jax.random.randint(k2, (2, 320000), 0, 10000, dtype=jnp.int32)
    relation_type = jax.random.randint(k3, (320000,), 0, 64, dtype=jnp.int32)
    rel_weight = jax.random.uniform(k4, (64, 64), minval=-0.1, maxval=0.1, dtype=jnp.float32)
    temperature = jnp.array(1.0, dtype=jnp.float32)
    bias = jnp.array(1.0, dtype=jnp.float32)
    return {
        'node_embeddings': node_embeddings,
        'edge_index': edge_index,
        'relation_type': relation_type,
        'rel_weight': rel_weight,
        'temperature': temperature,
        'bias': bias,
    }


def reference(node_embeddings, edge_index, relation_type, rel_weight, temperature, bias):
    # gather head/tail node embeddings per edge
    head = jnp.take(node_embeddings, edge_index[0], axis=0)
    tail = jnp.take(node_embeddings, edge_index[1], axis=0)
    # relation embedding lookup (rotation phases)
    phase_rel = jnp.take(rel_weight, relation_type, axis=0)
    re_head, im_head = jnp.split(head, 2, axis=-1)
    re_tail, im_tail = jnp.split(tail, 2, axis=-1)
    phase_rel = phase_rel / (MARGIN / jnp.pi)
    re_rel = jnp.cos(phase_rel)
    im_rel = jnp.sin(phase_rel)
    re_score = re_head * re_rel - im_head * im_rel
    im_score = re_head * im_rel + im_head * re_rel
    re_diff = re_score - re_tail
    im_diff = im_score - im_tail
    distance = jnp.sqrt(re_diff ** 2 + im_diff ** 2).mean(axis=-1)
    score = -(distance / temperature) + bias
    return score

if __name__ == "__main__":
    import jax
    _d = setup_inputs()
    print(jax.jit(kernel)(*tuple(_d.values())))

</pallas_src>

<mosaic_0001>
#map = affine_map<(d0, d1) -> (0, 0)>
#map1 = affine_map<(d0, d1) -> (0)>
module attributes {stable_mosaic.version = 14 : i64} {
  func.func @rotate_head_score_sc(%arg0: i32, %arg1: i32, %arg2: memref<10000x128xf32, #tpu.memory_space<hbm>>, %arg3: memref<320000xi32, #tpu.memory_space<hbm>>, %arg4: memref<320000xi32, #tpu.memory_space<hbm>>, %arg5: memref<320000xi32, #tpu.memory_space<hbm>>, %arg6: memref<64x64xf32, #tpu.memory_space<hbm>>, %arg7: memref<64x64xf32, #tpu.memory_space<hbm>>, %arg8: memref<16xf32, #tpu.memory_space<hbm>>, %arg9: memref<16xf32, #tpu.memory_space<hbm>>, %arg10: memref<320000xf32, #tpu.memory_space<hbm>>, %arg11: memref<80xi32, #tpu.memory_space<vmem>>, %arg12: memref<80xi32, #tpu.memory_space<vmem>>, %arg13: memref<80xi32, #tpu.memory_space<vmem>>, %arg14: memref<80x128xf32, #tpu.memory_space<vmem>>, %arg15: memref<80x128xf32, #tpu.memory_space<vmem>>, %arg16: memref<64x64xf32, #tpu.memory_space<vmem>>, %arg17: memref<64x64xf32, #tpu.memory_space<vmem>>, %arg18: memref<2x16xf32, #tpu.memory_space<vmem>>, %arg19: memref<80xf32, #tpu.memory_space<vmem>>, %arg20: memref<!tpu.dma_semaphore, #tpu.memory_space<semaphore_mem>>, %arg21: memref<!tpu.dma_semaphore, #tpu.memory_space<semaphore_mem>>) attributes {dimension_semantics = [#tpu.dimension_semantics<core_parallel>, #tpu.dimension_semantics<subcore_parallel>], iteration_bounds = array<i64: 2, 16>, scalar_prefetch = 0 : i64, scratch_operands = 11 : i64, tpu.core_type = #tpu.core_type<sc_vector_subcore>, window_params = [{transform_indices = #map}, {transform_indices = #map1}, {transform_indices = #map1}, {transform_indices = #map1}, {transform_indices = #map}, {transform_indices = #map}, {transform_indices = #map1}, {transform_indices = #map1}, {transform_indices = #map1}]} {
    %mul3A = arith.constant 2 : i32
    %mul3A_0 = arith.muli %arg1, %mul3A : i32
    %add3A = arith.addi %mul3A_0, %arg0 : i32
    "tpu.region"() ({
      %run_scoped3A_16 = tpu.sem_alloc : memref<!tpu.dma_semaphore, #tpu.memory_space<semaphore_mem>>
      tpu.enqueue_dma source(%arg6 : memref<64x64xf32, #tpu.memory_space<hbm>>) target(%arg16 : memref<64x64xf32, #tpu.memory_space<vmem>>) target_semaphore(%run_scoped3A_16 : memref<!tpu.dma_semaphore, #tpu.memory_space<semaphore_mem>>)
      tpu.wait_dma2 semaphore(%run_scoped3A_16 : memref<!tpu.dma_semaphore, #tpu.memory_space<semaphore_mem>>) src(%arg6 : memref<64x64xf32, #tpu.memory_space<hbm>>) dst(%arg16 : memref<64x64xf32, #tpu.memory_space<vmem>>)
      tpu.yield
    }) : () -> ()
    "tpu.region"() ({
      %run_scoped3A_16 = tpu.sem_alloc : memref<!tpu.dma_semaphore, #tpu.memory_space<semaphore_mem>>
      tpu.enqueue_dma source(%arg7 : memref<64x64xf32, #tpu.memory_space<hbm>>) target(%arg17 : memref<64x64xf32, #tpu.memory_space<vmem>>) target_semaphore(%run_scoped3A_16 : memref<!tpu.dma_semaphore, #tpu.memory_space<semaphore_mem>>)
      tpu.wait_dma2 semaphore(%run_scoped3A_16 : memref<!tpu.dma_semaphore, #tpu.memory_space<semaphore_mem>>) src(%arg7 : memref<64x64xf32, #tpu.memory_space<hbm>>) dst(%arg17 : memref<64x64xf32, #tpu.memory_space<vmem>>)
      tpu.yield
    }) : () -> ()
    %run_scoped3A = arith.constant 0 : i32
    "tpu.region"() ({
      %run_scoped3A_16 = tpu.sem_alloc : memref<!tpu.dma_semaphore, #tpu.memory_space<semaphore_mem>>
      %dma_start3A = arith.constant 0 : i32
      %dma_start3A_17 = tpu.memref_slice %arg18[%run_scoped3A, %dma_start3A] : memref<2x16xf32, #tpu.memory_space<vmem>> -> memref<1x16xf32, #tpu.memory_space<vmem>>
      %dma_start3A_18 = tpu.memref_squeeze %dma_start3A_17 : memref<1x16xf32, #tpu.memory_space<vmem>> -> memref<16xf32, #tpu.memory_space<vmem>>
      %dma_start3A_19 = arith.constant 0 : i32
      %dma_start3A_20 = tpu.memref_slice %arg18[%run_scoped3A, %dma_start3A_19] : memref<2x16xf32, #tpu.memory_space<vmem>> -> memref<1x16xf32, #tpu.memory_space<vmem>>
      %dma_start3A_21 = tpu.memref_squeeze %dma_start3A_20 : memref<1x16xf32, #tpu.memory_space<vmem>> -> memref<16xf32, #tpu.memory_space<vmem>>
      tpu.enqueue_dma source(%arg8 : memref<16xf32, #tpu.memory_space<hbm>>) target(%dma_start3A_21 : memref<16xf32, #tpu.memory_space<vmem>>) target_semaphore(%run_scoped3A_16 : memref<!tpu.dma_semaphore, #tpu.memory_space<semaphore_mem>>)
      %dma_wait3A = arith.constant 0 : i32
      %dma_wait3A_22 = tpu.memref_slice %arg18[%run_scoped3A, %dma_wait3A] : memref<2x16xf32, #tpu.memory_space<vmem>> -> memref<1x16xf32, #tpu.memory_space<vmem>>
      %dma_wait3A_23 = tpu.memref_squeeze %dma_wait3A_22 : memref<1x16xf32, #tpu.memory_space<vmem>> -> memref<16xf32, #tpu.memory_space<vmem>>
      %dma_wait3A_24 = arith.constant 0 : i32
      %dma_wait3A_25 = tpu.memref_slice %arg18[%run_scoped3A, %dma_wait3A_24] : memref<2x16xf32, #tpu.memory_space<vmem>> -> memref<1x16xf32, #tpu.memory_space<vmem>>
      %dma_wait3A_26 = tpu.memref_squeeze %dma_wait3A_25 : memref<1x16xf32, #tpu.memory_space<vmem>> -> memref<16xf32, #tpu.memory_space<vmem>>
      tpu.wait_dma2 semaphore(%run_scoped3A_16 : memref<!tpu.dma_semaphore, #tpu.memory_space<semaphore_mem>>) src(%arg8 : memref<16xf32, #tpu.memory_space<hbm>>) dst(%dma_wait3A_26 : memref<16xf32, #tpu.memory_space<vmem>>)
      tpu.yield
    }) : () -> ()
    %run_scoped3A_1 = arith.constant 1 : i32
    "tpu.region"() ({
      %run_scoped3A_16 = tpu.sem_alloc : memref<!tpu.dma_semaphore, #tpu.memory_space<semaphore_mem>>
      %dma_start3A = arith.constant 0 : i32
      %dma_start3A_17 = tpu.memref_slice %arg18[%run_scoped3A_1, %dma_start3A] : memref<2x16xf32, #tpu.memory_space<vmem>> -> memref<1x16xf32, #tpu.memory_space<vmem>>
      %dma_start3A_18 = tpu.memref_squeeze %dma_start3A_17 : memref<1x16xf32, #tpu.memory_space<vmem>> -> memref<16xf32, #tpu.memory_space<vmem>>
      %dma_start3A_19 = arith.constant 0 : i32
      %dma_start3A_20 = tpu.memref_slice %arg18[%run_scoped3A_1, %dma_start3A_19] : memref<2x16xf32, #tpu.memory_space<vmem>> -> memref<1x16xf32, #tpu.memory_space<vmem>>
      %dma_start3A_21 = tpu.memref_squeeze %dma_start3A_20 : memref<1x16xf32, #tpu.memory_space<vmem>> -> memref<16xf32, #tpu.memory_space<vmem>>
      tpu.enqueue_dma source(%arg9 : memref<16xf32, #tpu.memory_space<hbm>>) target(%dma_start3A_21 : memref<16xf32, #tpu.memory_space<vmem>>) target_semaphore(%run_scoped3A_16 : memref<!tpu.dma_semaphore, #tpu.memory_space<semaphore_mem>>)
      %dma_wait3A = arith.constant 0 : i32
      %dma_wait3A_22 = tpu.memref_slice %arg18[%run_scoped3A_1, %dma_wait3A] : memref<2x16xf32, #tpu.memory_space<vmem>> -> memref<1x16xf32, #tpu.memory_space<vmem>>
      %dma_wait3A_23 = tpu.memref_squeeze %dma_wait3A_22 : memref<1x16xf32, #tpu.memory_space<vmem>> -> memref<16xf32, #tpu.memory_space<vmem>>
      %dma_wait3A_24 = arith.constant 0 : i32
      %dma_wait3A_25 = tpu.memref_slice %arg18[%run_scoped3A_1, %dma_wait3A_24] : memref<2x16xf32, #tpu.memory_space<vmem>> -> memref<1x16xf32, #tpu.memory_space<vmem>>
      %dma_wait3A_26 = tpu.memref_squeeze %dma_wait3A_25 : memref<1x16xf32, #tpu.memory_space<vmem>> -> memref<16xf32, #tpu.memory_space<vmem>>
      tpu.wait_dma2 semaphore(%run_scoped3A_16 : memref<!tpu.dma_semaphore, #tpu.memory_space<semaphore_mem>>) src(%arg9 : memref<16xf32, #tpu.memory_space<hbm>>) dst(%dma_wait3A_26 : memref<16xf32, #tpu.memory_space<vmem>>)
      tpu.yield
    }) : () -> ()
    %get3A = arith.constant 0 : i32
    %get3A_2 = arith.index_cast %get3A : i32 to index
    %get3A_3 = arith.constant 0 : index
    %get3A_4 = tpu.vector_load %arg18[%get3A_2, %get3A_3] {strides = array<i32>} : memref<2x16xf32, #tpu.memory_space<vmem>>, vector<16xf32>,
    %get3A_5 = arith.constant 1 : i32
    %get3A_6 = arith.index_cast %get3A_5 : i32 to index
    %get3A_7 = arith.constant 0 : index
    %get3A_8 = tpu.vector_load %arg18[%get3A_6, %get3A_7] {strides = array<i32>} : memref<2x16xf32, #tpu.memory_space<vmem>>, vector<16xf32>,
    %iota3A = tpu.iota {dimensions = array<i32: 0>} : vector<16xi32>
    %mul3A_9 = arith.constant 10000 : i32
    %mul3A_10 = arith.muli %add3A, %mul3A_9 : i32
    %scan3A = arith.constant 0 : i32
    %scan3A_11 = arith.constant 0 : i32
    %scan3A_12 = arith.constant 125 : i32
    %scan3A_13 = arith.addi %scan3A_11, %scan3A_12 : i32
    %scan3A_14 = arith.constant 1 : i32
    scf.for %scan3A_16 = %scan3A_11 to %scan3A_13 step %scan3A_14  : i32 {
      %mul3A_17 = arith.constant 80 : i32
      %mul3A_18 = arith.muli %scan3A_16, %mul3A_17 : i32
      %add3A_19 = arith.addi %mul3A_10, %mul3A_18 : i32
      %multiple_of3A = tpu.assume_multiple %add3A_19, 16 : i32
      "tpu.region"() ({
        %run_scoped3A_113 = tpu.sem_alloc : memref<!tpu.dma_semaphore, #tpu.memory_space<semaphore_mem>>
        %dma_start3A_114 = tpu.memref_slice %arg3[%multiple_of3A] : memref<320000xi32, #tpu.memory_space<hbm>> -> memref<80xi32, #tpu.memory_space<hbm>>
        %dma_start3A_115 = tpu.memref_slice %arg3[%multiple_of3A] : memref<320000xi32, #tpu.memory_space<hbm>> -> memref<80xi32, #tpu.memory_space<hbm>>
        tpu.enqueue_dma source(%dma_start3A_115 : memref<80xi32, #tpu.memory_space<hbm>>) target(%arg11 : memref<80xi32, #tpu.memory_space<vmem>>) target_semaphore(%run_scoped3A_113 : memref<!tpu.dma_semaphore, #tpu.memory_space<semaphore_mem>>)
        %dma_wait3A_116 = tpu.memref_slice %arg3[%multiple_of3A] : memref<320000xi32, #tpu.memory_space<hbm>> -> memref<80xi32, #tpu.memory_space<hbm>>
        %dma_wait3A_117 = tpu.memref_slice %arg3[%multiple_of3A] : memref<320000xi32, #tpu.memory_space<hbm>> -> memref<80xi32, #tpu.memory_space<hbm>>
        tpu.wait_dma2 semaphore(%run_scoped3A_113 : memref<!tpu.dma_semaphore, #tpu.memory_space<semaphore_mem>>) src(%dma_wait3A_117 : memref<80xi32, #tpu.memory_space<hbm>>) dst(%arg11 : memref<80xi32, #tpu.memory_space<vmem>>)
        tpu.yield
      }) : () -> ()
      "tpu.region"() ({
        %run_scoped3A_113 = tpu.sem_alloc : memref<!tpu.dma_semaphore, #tpu.memory_space<semaphore_mem>>
        %dma_start3A_114 = tpu.memref_slice %arg4[%multiple_of3A] : memref<320000xi32, #tpu.memory_space<hbm>> -> memref<80xi32, #tpu.memory_space<hbm>>
        %dma_start3A_115 = tpu.memref_slice %arg4[%multiple_of3A] : memref<320000xi32, #tpu.memory_space<hbm>> -> memref<80xi32, #tpu.memory_space<hbm>>
        tpu.enqueue_dma source(%dma_start3A_115 : memref<80xi32, #tpu.memory_space<hbm>>) target(%arg12 : memref<80xi32, #tpu.memory_space<vmem>>) target_semaphore(%run_scoped3A_113 : memref<!tpu.dma_semaphore, #tpu.memory_space<semaphore_mem>>)
        %dma_wait3A_116 = tpu.memref_slice %arg4[%multiple_of3A] : memref<320000xi32, #tpu.memory_space<hbm>> -> memref<80xi32, #tpu.memory_space<hbm>>
        %dma_wait3A_117 = tpu.memref_slice %arg4[%multiple_of3A] : memref<320000xi32, #tpu.memory_space<hbm>> -> memref<80xi32, #tpu.memory_space<hbm>>
        tpu.wait_dma2 semaphore(%run_scoped3A_113 : memref<!tpu.dma_semaphore, #tpu.memory_space<semaphore_mem>>) src(%dma_wait3A_117 : memref<80xi32, #tpu.memory_space<hbm>>) dst(%arg12 : memref<80xi32, #tpu.memory_space<vmem>>)
        tpu.yield
      }) : () -> ()
      "tpu.region"() ({
        %run_scoped3A_113 = tpu.sem_alloc : memref<!tpu.dma_semaphore, #tpu.memory_space<semaphore_mem>>
        %dma_start3A_114 = tpu.memref_slice %arg5[%multiple_of3A] : memref<320000xi32, #tpu.memory_space<hbm>> -> memref<80xi32, #tpu.memory_space<hbm>>
        %dma_start3A_115 = tpu.memref_slice %arg5[%multiple_of3A] : memref<320000xi32, #tpu.memory_space<hbm>> -> memref<80xi32, #tpu.memory_space<hbm>>
        tpu.enqueue_dma source(%dma_start3A_115 : memref<80xi32, #tpu.memory_space<hbm>>) target(%arg13 : memref<80xi32, #tpu.memory_space<vmem>>) target_semaphore(%run_scoped3A_113 : memref<!tpu.dma_semaphore, #tpu.memory_space<semaphore_mem>>)
        %dma_wait3A_116 = tpu.memref_slice %arg5[%multiple_of3A] : memref<320000xi32, #tpu.memory_space<hbm>> -> memref<80xi32, #tpu.memory_space<hbm>>
        %dma_wait3A_117 = tpu.memref_slice %arg5[%multiple_of3A] : memref<320000xi32, #tpu.memory_space<hbm>> -> memref<80xi32, #tpu.memory_space<hbm>>
        tpu.wait_dma2 semaphore(%run_scoped3A_113 : memref<!tpu.dma_semaphore, #tpu.memory_space<semaphore_mem>>) src(%dma_wait3A_117 : memref<80xi32, #tpu.memory_space<hbm>>) dst(%arg13 : memref<80xi32, #tpu.memory_space<vmem>>)
        tpu.yield
      }) : () -> ()
      %dma_start3A = arith.constant 0 : i32
      %dma_start3A_20 = arith.constant 0 : i32
      %dma_start3A_21 = tpu.memref_slice %arg2[%dma_start3A, %dma_start3A_20] : memref<10000x128xf32, #tpu.memory_space<hbm>> -> memref<10000x128xf32, #tpu.memory_space<hbm>>
      tpu.enqueue_indirect_dma source(%dma_start3A_21 : memref<10000x128xf32, #tpu.memory_space<hbm>>) target(%arg14 : memref<80x128xf32, #tpu.memory_space<vmem>>) offsets(%arg11 : memref<80xi32, #tpu.memory_space<vmem>>) semaphore(%arg20 : memref<!tpu.dma_semaphore, #tpu.memory_space<semaphore_mem>>)
      %dma_start3A_22 = arith.constant 0 : i32
      %dma_start3A_23 = arith.constant 0 : i32
      %dma_start3A_24 = tpu.memref_slice %arg2[%dma_start3A_22, %dma_start3A_23] : memref<10000x128xf32, #tpu.memory_space<hbm>> -> memref<10000x128xf32, #tpu.memory_space<hbm>>
      tpu.enqueue_indirect_dma source(%dma_start3A_24 : memref<10000x128xf32, #tpu.memory_space<hbm>>) target(%arg15 : memref<80x128xf32, #tpu.memory_space<vmem>>) offsets(%arg12 : memref<80xi32, #tpu.memory_space<vmem>>) semaphore(%arg21 : memref<!tpu.dma_semaphore, #tpu.memory_space<semaphore_mem>>)
      %dma_wait3A = arith.constant 0 : i32
      %dma_wait3A_25 = arith.constant 0 : i32
      %dma_wait3A_26 = tpu.memref_slice %arg2[%dma_wait3A, %dma_wait3A_25] : memref<10000x128xf32, #tpu.memory_space<hbm>> -> memref<10000x128xf32, #tpu.memory_space<hbm>>
      tpu.wait_indirect_dma semaphore(%arg20 : memref<!tpu.dma_semaphore, #tpu.memory_space<semaphore_mem>>) src(%dma_wait3A_26 : memref<10000x128xf32, #tpu.memory_space<hbm>>) dst(%arg14 : memref<80x128xf32, #tpu.memory_space<vmem>>)
      %dma_wait3A_27 = arith.constant 0 : i32
      %dma_wait3A_28 = arith.constant 0 : i32
      %dma_wait3A_29 = tpu.memref_slice %arg2[%dma_wait3A_27, %dma_wait3A_28] : memref<10000x128xf32, #tpu.memory_space<hbm>> -> memref<10000x128xf32, #tpu.memory_space<hbm>>
      tpu.wait_indirect_dma semaphore(%arg21 : memref<!tpu.dma_semaphore, #tpu.memory_space<semaphore_mem>>) src(%dma_wait3A_29 : memref<10000x128xf32, #tpu.memory_space<hbm>>) dst(%arg15 : memref<80x128xf32, #tpu.memory_space<vmem>>)
      %add3A_30 = arith.constant 0 : i32
      %add3A_31 = vector.broadcast %add3A_30 : i32 to vector<16xi32>
      %add3A_32 = arith.addi %iota3A, %add3A_31 : vector<16xi32>
      %get3A_33 = arith.constant 0 : index
      %get3A_34 = tpu.vector_load %arg13[%get3A_33] {strides = array<i32>} : memref<80xi32, #tpu.memory_space<vmem>>, vector<16xi32>,
      %broadcast_in_dim3A = arith.constant 0.000000e+00 : f32
      %broadcast_in_dim3A_35 = vector.broadcast %broadcast_in_dim3A : f32 to vector<16xf32>
      %scan3A_36 = arith.constant 0 : i32
      %scan3A_37 = arith.constant 64 : i32
      %scan3A_38 = arith.addi %scan3A_36, %scan3A_37 : i32
      %scan3A_39 = arith.constant 1 : i32
      %scan3A_40 = scf.for %scan3A_113 = %scan3A_36 to %scan3A_38 step %scan3A_39 iter_args(%scan3A_114 = %broadcast_in_dim3A_35) -> (vector<16xf32>)  : i32 {
        %broadcast_in_dim3A_115 = arith.constant 0 : i32
        %broadcast_in_dim3A_116 = vector.broadcast %broadcast_in_dim3A_115 : i32 to vector<16xi32>
        %add3A_117 = vector.broadcast %scan3A_113 : i32 to vector<16xi32>
        %add3A_118 = arith.addi %broadcast_in_dim3A_116, %add3A_117 : vector<16xi32>
        %add3A_119 = arith.constant 64 : i32
        %add3A_120 = vector.broadcast %add3A_119 : i32 to vector<16xi32>
        %add3A_121 = arith.addi %add3A_118, %add3A_120 : vector<16xi32>
        %gather3A = tpu.vector_load_idx %arg14[%add3A_32, %add3A_118] : memref<80x128xf32, #tpu.memory_space<vmem>>[vector<16xi32>, vector<16xi32>], vector<16xf32>,
        %gather3A_122 = tpu.vector_load_idx %arg14[%add3A_32, %add3A_121] : memref<80x128xf32, #tpu.memory_space<vmem>>[vector<16xi32>, vector<16xi32>], vector<16xf32>,
        %gather3A_123 = tpu.vector_load_idx %arg15[%add3A_32, %add3A_118] : memref<80x128xf32, #tpu.memory_space<vmem>>[vector<16xi32>, vector<16xi32>], vector<16xf32>,
        %gather3A_124 = tpu.vector_load_idx %arg15[%add3A_32, %add3A_121] : memref<80x128xf32, #tpu.memory_space<vmem>>[vector<16xi32>, vector<16xi32>], vector<16xf32>,
        %gather3A_125 = tpu.vector_load_idx %arg16[%get3A_34, %add3A_118] : memref<64x64xf32, #tpu.memory_space<vmem>>[vector<16xi32>, vector<16xi32>], vector<16xf32>,
        %gather3A_126 = tpu.vector_load_idx %arg17[%get3A_34, %add3A_118] : memref<64x64xf32, #tpu.memory_space<vmem>>[vector<16xi32>, vector<16xi32>], vector<16xf32>,
        %mul3A_127 = arith.mulf %gather3A, %gather3A_125 : vector<16xf32>
        %mul3A_128 = arith.mulf %gather3A_122, %gather3A_126 : vector<16xf32>
        %sub3A = arith.subf %mul3A_127, %mul3A_128 : vector<16xf32>
        %mul3A_129 = arith.mulf %gather3A, %gather3A_126 : vector<16xf32>
        %mul3A_130 = arith.mulf %gather3A_122, %gather3A_125 : vector<16xf32>
        %add3A_131 = arith.addf %mul3A_129, %mul3A_130 : vector<16xf32>
        %sub3A_132 = arith.subf %sub3A, %gather3A_123 : vector<16xf32>
        %sub3A_133 = arith.subf %add3A_131, %gather3A_124 : vector<16xf32>
        %mul3A_134 = arith.mulf %sub3A_132, %sub3A_132 : vector<16xf32>
        %mul3A_135 = arith.mulf %sub3A_133, %sub3A_133 : vector<16xf32>
        %add3A_136 = arith.addf %mul3A_134, %mul3A_135 : vector<16xf32>
        %max3A = arith.constant 1.000000e-30 : f32
        %max3A_137 = vector.broadcast %max3A : f32 to vector<16xf32>
        %max3A_138 = arith.maximumf %add3A_136, %max3A_137 : vector<16xf32>
        %bitcast3A = vector.bitcast %max3A_138 : vector<16xf32> to vector<16xi32>
        %shift_right_arithmetic3A = arith.constant 1 : i32
        %shift_right_arithmetic3A_139 = vector.broadcast %shift_right_arithmetic3A : i32 to vector<16xi32>
        %shift_right_arithmetic3A_140 = arith.shrsi %bitcast3A, %shift_right_arithmetic3A_139 : vector<16xi32>
        %sub3A_141 = arith.constant 1597463007 : i32
        %sub3A_142 = vector.broadcast %sub3A_141 : i32 to vector<16xi32>
        %sub3A_143 = arith.subi %sub3A_142, %shift_right_arithmetic3A_140 : vector<16xi32>
        %bitcast3A_144 = vector.bitcast %sub3A_143 : vector<16xi32> to vector<16xf32>
        %mul3A_145 = arith.constant 5.000000e-01 : f32
        %mul3A_146 = vector.broadcast %mul3A_145 : f32 to vector<16xf32>
        %mul3A_147 = arith.mulf %max3A_138, %mul3A_146 : vector<16xf32>
        %mul3A_148 = arith.mulf %mul3A_147, %bitcast3A_144 : vector<16xf32>
        %mul3A_149 = arith.mulf %mul3A_148, %bitcast3A_144 : vector<16xf32>
        %sub3A_150 = arith.constant 1.500000e+00 : f32
        %sub3A_151 = vector.broadcast %sub3A_150 : f32 to vector<16xf32>
        %sub3A_152 = arith.subf %sub3A_151, %mul3A_149 : vector<16xf32>
        %mul3A_153 = arith.mulf %bitcast3A_144, %sub3A_152 : vector<16xf32>
        %mul3A_154 = arith.mulf %mul3A_147, %mul3A_153 : vector<16xf32>
        %mul3A_155 = arith.mulf %mul3A_154, %mul3A_153 : vector<16xf32>
        %sub3A_156 = arith.constant 1.500000e+00 : f32
        %sub3A_157 = vector.broadcast %sub3A_156 : f32 to vector<16xf32>
        %sub3A_158 = arith.subf %sub3A_157, %mul3A_155 : vector<16xf32>
        %mul3A_159 = arith.mulf %mul3A_153, %sub3A_158 : vector<16xf32>
        %mul3A_160 = arith.mulf %max3A_138, %mul3A_159 : vector<16xf32>
        %add3A_161 = arith.addf %scan3A_114, %mul3A_160 : vector<16xf32>
        scf.yield %add3A_161 : vector<16xf32>
      }
      %scan3A_41 = arith.constant 64 : i32
      %mul3A_42 = arith.mulf %scan3A_40, %get3A_4 : vector<16xf32>
      %add3A_43 = arith.addf %mul3A_42, %get3A_8 : vector<16xf32>
      %swap3A = arith.constant 0 : index
      %swap3A_44 = tpu.vector_load %arg19[%swap3A] {strides = array<i32>} : memref<80xf32, #tpu.memory_space<vmem>>, vector<16xf32>,
      tpu.vector_store %arg19[%swap3A], %add3A_43 {strides = array<i32>} : memref<80xf32, #tpu.memory_space<vmem>>, vector<16xf32>,
      %add3A_45 = arith.constant 16 : i32
      %add3A_46 = vector.broadcast %add3A_45 : i32 to vector<16xi32>
      %add3A_47 = arith.addi %iota3A, %add3A_46 : vector<16xi32>
      %get3A_48 = arith.constant 16 : index
      %get3A_49 = tpu.vector_load %arg13[%get3A_48] {strides = array<i32>} : memref<80xi32, #tpu.memory_space<vmem>>, vector<16xi32>,
      %broadcast_in_dim3A_50 = arith.constant 0.000000e+00 : f32
      %broadcast_in_dim3A_51 = vector.broadcast %broadcast_in_dim3A_50 : f32 to vector<16xf32>
      %scan3A_52 = arith.constant 0 : i32
      %scan3A_53 = arith.constant 64 : i32
      %scan3A_54 = arith.addi %scan3A_52, %scan3A_53 : i32
      %scan3A_55 = arith.constant 1 : i32
      %scan3A_56 = scf.for %scan3A_113 = %scan3A_52 to %scan3A_54 step %scan3A_55 iter_args(%scan3A_114 = %broadcast_in_dim3A_51) -> (vector<16xf32>)  : i32 {
        %broadcast_in_dim3A_115 = arith.constant 0 : i32
        %broadcast_in_dim3A_116 = vector.broadcast %broadcast_in_dim3A_115 : i32 to vector<16xi32>
        %add3A_117 = vector.broadcast %scan3A_113 : i32 to vector<16xi32>
        %add3A_118 = arith.addi %broadcast_in_dim3A_116, %add3A_117 : vector<16xi32>
        %add3A_119 = arith.constant 64 : i32
        %add3A_120 = vector.broadcast %add3A_119 : i32 to vector<16xi32>
        %add3A_121 = arith.addi %add3A_118, %add3A_120 : vector<16xi32>
        %gather3A = tpu.vector_load_idx %arg14[%add3A_47, %add3A_118] : memref<80x128xf32, #tpu.memory_space<vmem>>[vector<16xi32>, vector<16xi32>], vector<16xf32>,
        %gather3A_122 = tpu.vector_load_idx %arg14[%add3A_47, %add3A_121] : memref<80x128xf32, #tpu.memory_space<vmem>>[vector<16xi32>, vector<16xi32>], vector<16xf32>,
        %gather3A_123 = tpu.vector_load_idx %arg15[%add3A_47, %add3A_118] : memref<80x128xf32, #tpu.memory_space<vmem>>[vector<16xi32>, vector<16xi32>], vector<16xf32>,
        %gather3A_124 = tpu.vector_load_idx %arg15[%add3A_47, %add3A_121] : memref<80x128xf32, #tpu.memory_space<vmem>>[vector<16xi32>, vector<16xi32>], vector<16xf32>,
        %gather3A_125 = tpu.vector_load_idx %arg16[%get3A_49, %add3A_118] : memref<64x64xf32, #tpu.memory_space<vmem>>[vector<16xi32>, vector<16xi32>], vector<16xf32>,
        %gather3A_126 = tpu.vector_load_idx %arg17[%get3A_49, %add3A_118] : memref<64x64xf32, #tpu.memory_space<vmem>>[vector<16xi32>, vector<16xi32>], vector<16xf32>,
        %mul3A_127 = arith.mulf %gather3A, %gather3A_125 : vector<16xf32>
        %mul3A_128 = arith.mulf %gather3A_122, %gather3A_126 : vector<16xf32>
        %sub3A = arith.subf %mul3A_127, %mul3A_128 : vector<16xf32>
        %mul3A_129 = arith.mulf %gather3A, %gather3A_126 : vector<16xf32>
        %mul3A_130 = arith.mulf %gather3A_122, %gather3A_125 : vector<16xf32>
        %add3A_131 = arith.addf %mul3A_129, %mul3A_130 : vector<16xf32>
        %sub3A_132 = arith.subf %sub3A, %gather3A_123 : vector<16xf32>
        %sub3A_133 = arith.subf %add3A_131, %gather3A_124 : vector<16xf32>
        %mul3A_134 = arith.mulf %sub3A_132, %sub3A_132 : vector<16xf32>
        %mul3A_135 = arith.mulf %sub3A_133, %sub3A_133 : vector<16xf32>
        %add3A_136 = arith.addf %mul3A_134, %mul3A_135 : vector<16xf32>
        %max3A = arith.constant 1.000000e-30 : f32
        %max3A_137 = vector.broadcast %max3A : f32 to vector<16xf32>
        %max3A_138 = arith.maximumf %add3A_136, %max3A_137 : vector<16xf32>
        %bitcast3A = vector.bitcast %max3A_138 : vector<16xf32> to vector<16xi32>
        %shift_right_arithmetic3A = arith.constant 1 : i32
        %shift_right_arithmetic3A_139 = vector.broadcast %shift_right_arithmetic3A : i32 to vector<16xi32>
        %shift_right_arithmetic3A_140 = arith.shrsi %bitcast3A, %shift_right_arithmetic3A_139 : vector<16xi32>
        %sub3A_141 = arith.constant 1597463007 : i32
        %sub3A_142 = vector.broadcast %sub3A_141 : i32 to vector<16xi32>
        %sub3A_143 = arith.subi %sub3A_142, %shift_right_arithmetic3A_140 : vector<16xi32>
        %bitcast3A_144 = vector.bitcast %sub3A_143 : vector<16xi32> to vector<16xf32>
        %mul3A_145 = arith.constant 5.000000e-01 : f32
        %mul3A_146 = vector.broadcast %mul3A_145 : f32 to vector<16xf32>
        %mul3A_147 = arith.mulf %max3A_138, %mul3A_146 : vector<16xf32>
        %mul3A_148 = arith.mulf %mul3A_147, %bitcast3A_144 : vector<16xf32>
        %mul3A_149 = arith.mulf %mul3A_148, %bitcast3A_144 : vector<16xf32>
        %sub3A_150 = arith.constant 1.500000e+00 : f32
        %sub3A_151 = vector.broadcast %sub3A_150 : f32 to vector<16xf32>
        %sub3A_152 = arith.subf %sub3A_151, %mul3A_149 : vector<16xf32>
        %mul3A_153 = arith.mulf %bitcast3A_144, %sub3A_152 : vector<16xf32>
        %mul3A_154 = arith.mulf %mul3A_147, %mul3A_153 : vector<16xf32>
        %mul3A_155 = arith.mulf %mul3A_154, %mul3A_153 : vector<16xf32>
        %sub3A_156 = arith.constant 1.500000e+00 : f32
        %sub3A_157 = vector.broadcast %sub3A_156 : f32 to vector<16xf32>
        %sub3A_158 = arith.subf %sub3A_157, %mul3A_155 : vector<16xf32>
        %mul3A_159 = arith.mulf %mul3A_153, %sub3A_158 : vector<16xf32>
        %mul3A_160 = arith.mulf %max3A_138, %mul3A_159 : vector<16xf32>
        %add3A_161 = arith.addf %scan3A_114, %mul3A_160 : vector<16xf32>
        scf.yield %add3A_161 : vector<16xf32>
      }
      %scan3A_57 = arith.constant 64 : i32
      %mul3A_58 = arith.mulf %scan3A_56, %get3A_4 : vector<16xf32>
      %add3A_59 = arith.addf %mul3A_58, %get3A_8 : vector<16xf32>
      %swap3A_60 = arith.constant 16 : index
      %swap3A_61 = tpu.vector_load %arg19[%swap3A_60] {strides = array<i32>} : memref<80xf32, #tpu.memory_space<vmem>>, vector<16xf32>,
      tpu.vector_store %arg19[%swap3A_60], %add3A_59 {strides = array<i32>} : memref<80xf32, #tpu.memory_space<vmem>>, vector<16xf32>,
      %add3A_62 = arith.constant 32 : i32
      %add3A_63 = vector.broadcast %add3A_62 : i32 to vector<16xi32>
      %add3A_64 = arith.addi %iota3A, %add3A_63 : vector<16xi32>
      %get3A_65 = arith.constant 32 : index
      %get3A_66 = tpu.vector_load %arg13[%get3A_65] {strides = array<i32>} : memref<80xi32, #tpu.memory_space<vmem>>, vector<16xi32>,
      %broadcast_in_dim3A_67 = arith.constant 0.000000e+00 : f32
      %broadcast_in_dim3A_68 = vector.broadcast %broadcast_in_dim3A_67 : f32 to vector<16xf32>
      %scan3A_69 = arith.constant 0 : i32
      %scan3A_70 = arith.constant 64 : i32
      %scan3A_71 = arith.addi %scan3A_69, %scan3A_70 : i32
      %scan3A_72 = arith.constant 1 : i32
      %scan3A_73 = scf.for %scan3A_113 = %scan3A_69 to %scan3A_71 step %scan3A_72 iter_args(%scan3A_114 = %broadcast_in_dim3A_68) -> (vector<16xf32>)  : i32 {
        %broadcast_in_dim3A_115 = arith.constant 0 : i32
        %broadcast_in_dim3A_116 = vector.broadcast %broadcast_in_dim3A_115 : i32 to vector<16xi32>
        %add3A_117 = vector.broadcast %scan3A_113 : i32 to vector<16xi32>
        %add3A_118 = arith.addi %broadcast_in_dim3A_116, %add3A_117 : vector<16xi32>
        %add3A_119 = arith.constant 64 : i32
        %add3A_120 = vector.broadcast %add3A_119 : i32 to vector<16xi32>
        %add3A_121 = arith.addi %add3A_118, %add3A_120 : vector<16xi32>
        %gather3A = tpu.vector_load_idx %arg14[%add3A_64, %add3A_118] : memref<80x128xf32, #tpu.memory_space<vmem>>[vector<16xi32>, vector<16xi32>], vector<16xf32>,
        %gather3A_122 = tpu.vector_load_idx %arg14[%add3A_64, %add3A_121] : memref<80x128xf32, #tpu.memory_space<vmem>>[vector<16xi32>, vector<16xi32>], vector<16xf32>,
        %gather3A_123 = tpu.vector_load_idx %arg15[%add3A_64, %add3A_118] : memref<80x128xf32, #tpu.memory_space<vmem>>[vector<16xi32>, vector<16xi32>], vector<16xf32>,
        %gather3A_124 = tpu.vector_load_idx %arg15[%add3A_64, %add3A_121] : memref<80x128xf32, #tpu.memory_space<vmem>>[vector<16xi32>, vector<16xi32>], vector<16xf32>,
        %gather3A_125 = tpu.vector_load_idx %arg16[%get3A_66, %add3A_118] : memref<64x64xf32, #tpu.memory_space<vmem>>[vector<16xi32>, vector<16xi32>], vector<16xf32>,
        %gather3A_126 = tpu.vector_load_idx %arg17[%get3A_66, %add3A_118] : memref<64x64xf32, #tpu.memory_space<vmem>>[vector<16xi32>, vector<16xi32>], vector<16xf32>,
        %mul3A_127 = arith.mulf %gather3A, %gather3A_125 : vector<16xf32>
        %mul3A_128 = arith.mulf %gather3A_122, %gather3A_126 : vector<16xf32>
        %sub3A = arith.subf %mul3A_127, %mul3A_128 : vector<16xf32>
        %mul3A_129 = arith.mulf %gather3A, %gather3A_126 : vector<16xf32>
        %mul3A_130 = arith.mulf %gather3A_122, %gather3A_125 : vector<16xf32>
        %add3A_131 = arith.addf %mul3A_129, %mul3A_130 : vector<16xf32>
        %sub3A_132 = arith.subf %sub3A, %gather3A_123 : vector<16xf32>
        %sub3A_133 = arith.subf %add3A_131, %gather3A_124 : vector<16xf32>
        %mul3A_134 = arith.mulf %sub3A_132, %sub3A_132 : vector<16xf32>
        %mul3A_135 = arith.mulf %sub3A_133, %sub3A_133 : vector<16xf32>
        %add3A_136 = arith.addf %mul3A_134, %mul3A_135 : vector<16xf32>
        %max3A = arith.constant 1.000000e-30 : f32
        %max3A_137 = vector.broadcast %max3A : f32 to vector<16xf32>
        %max3A_138 = arith.maximumf %add3A_136, %max3A_137 : vector<16xf32>
        %bitcast3A = vector.bitcast %max3A_138 : vector<16xf32> to vector<16xi32>
        %shift_right_arithmetic3A = arith.constant 1 : i32
        %shift_right_arithmetic3A_139 = vector.broadcast %shift_right_arithmetic3A : i32 to vector<16xi32>
        %shift_right_arithmetic3A_140 = arith.shrsi %bitcast3A, %shift_right_arithmetic3A_139 : vector<16xi32>
        %sub3A_141 = arith.constant 1597463007 : i32
        %sub3A_142 = vector.broadcast %sub3A_141 : i32 to vector<16xi32>
        %sub3A_143 = arith.subi %sub3A_142, %shift_right_arithmetic3A_140 : vector<16xi32>
        %bitcast3A_144 = vector.bitcast %sub3A_143 : vector<16xi32> to vector<16xf32>
        %mul3A_145 = arith.constant 5.000000e-01 : f32
        %mul3A_146 = vector.broadcast %mul3A_145 : f32 to vector<16xf32>
        %mul3A_147 = arith.mulf %max3A_138, %mul3A_146 : vector<16xf32>
        %mul3A_148 = arith.mulf %mul3A_147, %bitcast3A_144 : vector<16xf32>
        %mul3A_149 = arith.mulf %mul3A_148, %bitcast3A_144 : vector<16xf32>
        %sub3A_150 = arith.constant 1.500000e+00 : f32
        %sub3A_151 = vector.broadcast %sub3A_150 : f32 to vector<16xf32>
        %sub3A_152 = arith.subf %sub3A_151, %mul3A_149 : vector<16xf32>
        %mul3A_153 = arith.mulf %bitcast3A_144, %sub3A_152 : vector<16xf32>
        %mul3A_154 = arith.mulf %mul3A_147, %mul3A_153 : vector<16xf32>
        %mul3A_155 = arith.mulf %mul3A_154, %mul3A_153 : vector<16xf32>
        %sub3A_156 = arith.constant 1.500000e+00 : f32
        %sub3A_157 = vector.broadcast %sub3A_156 : f32 to vector<16xf32>
        %sub3A_158 = arith.subf %sub3A_157, %mul3A_155 : vector<16xf32>
        %mul3A_159 = arith.mulf %mul3A_153, %sub3A_158 : vector<16xf32>
        %mul3A_160 = arith.mulf %max3A_138, %mul3A_159 : vector<16xf32>
        %add3A_161 = arith.addf %scan3A_114, %mul3A_160 : vector<16xf32>
        scf.yield %add3A_161 : vector<16xf32>
      }
      %scan3A_74 = arith.constant 64 : i32
      %mul3A_75 = arith.mulf %scan3A_73, %get3A_4 : vector<16xf32>
      %add3A_76 = arith.addf %mul3A_75, %get3A_8 : vector<16xf32>
      %swap3A_77 = arith.constant 32 : index
      %swap3A_78 = tpu.vector_load %arg19[%swap3A_77] {strides = array<i32>} : memref<80xf32, #tpu.memory_space<vmem>>, vector<16xf32>,
      tpu.vector_store %arg19[%swap3A_77], %add3A_76 {strides = array<i32>} : memref<80xf32, #tpu.memory_space<vmem>>, vector<16xf32>,
      %add3A_79 = arith.constant 48 : i32
      %add3A_80 = vector.broadcast %add3A_79 : i32 to vector<16xi32>
      %add3A_81 = arith.addi %iota3A, %add3A_80 : vector<16xi32>
      %get3A_82 = arith.constant 48 : index
      %get3A_83 = tpu.vector_load %arg13[%get3A_82] {strides = array<i32>} : memref<80xi32, #tpu.memory_space<vmem>>, vector<16xi32>,
      %broadcast_in_dim3A_84 = arith.constant 0.000000e+00 : f32
      %broadcast_in_dim3A_85 = vector.broadcast %broadcast_in_dim3A_84 : f32 to vector<16xf32>
      %scan3A_86 = arith.constant 0 : i32
      %scan3A_87 = arith.constant 64 : i32
      %scan3A_88 = arith.addi %scan3A_86, %scan3A_87 : i32
      %scan3A_89 = arith.constant 1 : i32
      %scan3A_90 = scf.for %scan3A_113 = %scan3A_86 to %scan3A_88 step %scan3A_89 iter_args(%scan3A_114 = %broadcast_in_dim3A_85) -> (vector<16xf32>)  : i32 {
        %broadcast_in_dim3A_115 = arith.constant 0 : i32
        %broadcast_in_dim3A_116 = vector.broadcast %broadcast_in_dim3A_115 : i32 to vector<16xi32>
        %add3A_117 = vector.broadcast %scan3A_113 : i32 to vector<16xi32>
        %add3A_118 = arith.addi %broadcast_in_dim3A_116, %add3A_117 : vector<16xi32>
        %add3A_119 = arith.constant 64 : i32
        %add3A_120 = vector.broadcast %add3A_119 : i32 to vector<16xi32>
        %add3A_121 = arith.addi %add3A_118, %add3A_120 : vector<16xi32>
        %gather3A = tpu.vector_load_idx %arg14[%add3A_81, %add3A_118] : memref<80x128xf32, #tpu.memory_space<vmem>>[vector<16xi32>, vector<16xi32>], vector<16xf32>,
        %gather3A_122 = tpu.vector_load_idx %arg14[%add3A_81, %add3A_121] : memref<80x128xf32, #tpu.memory_space<vmem>>[vector<16xi32>, vector<16xi32>], vector<16xf32>,
        %gather3A_123 = tpu.vector_load_idx %arg15[%add3A_81, %add3A_118] : memref<80x128xf32, #tpu.memory_space<vmem>>[vector<16xi32>, vector<16xi32>], vector<16xf32>,
        %gather3A_124 = tpu.vector_load_idx %arg15[%add3A_81, %add3A_121] : memref<80x128xf32, #tpu.memory_space<vmem>>[vector<16xi32>, vector<16xi32>], vector<16xf32>,
        %gather3A_125 = tpu.vector_load_idx %arg16[%get3A_83, %add3A_118] : memref<64x64xf32, #tpu.memory_space<vmem>>[vector<16xi32>, vector<16xi32>], vector<16xf32>,
        %gather3A_126 = tpu.vector_load_idx %arg17[%get3A_83, %add3A_118] : memref<64x64xf32, #tpu.memory_space<vmem>>[vector<16xi32>, vector<16xi32>], vector<16xf32>,
        %mul3A_127 = arith.mulf %gather3A, %gather3A_125 : vector<16xf32>
        %mul3A_128 = arith.mulf %gather3A_122, %gather3A_126 : vector<16xf32>
        %sub3A = arith.subf %mul3A_127, %mul3A_128 : vector<16xf32>
        %mul3A_129 = arith.mulf %gather3A, %gather3A_126 : vector<16xf32>
        %mul3A_130 = arith.mulf %gather3A_122, %gather3A_125 : vector<16xf32>
        %add3A_131 = arith.addf %mul3A_129, %mul3A_130 : vector<16xf32>
        %sub3A_132 = arith.subf %sub3A, %gather3A_123 : vector<16xf32>
        %sub3A_133 = arith.subf %add3A_131, %gather3A_124 : vector<16xf32>
        %mul3A_134 = arith.mulf %sub3A_132, %sub3A_132 : vector<16xf32>
        %mul3A_135 = arith.mulf %sub3A_133, %sub3A_133 : vector<16xf32>
        %add3A_136 = arith.addf %mul3A_134, %mul3A_135 : vector<16xf32>
        %max3A = arith.constant 1.000000e-30 : f32
        %max3A_137 = vector.broadcast %max3A : f32 to vector<16xf32>
        %max3A_138 = arith.maximumf %add3A_136, %max3A_137 : vector<16xf32>
        %bitcast3A = vector.bitcast %max3A_138 : vector<16xf32> to vector<16xi32>
        %shift_right_arithmetic3A = arith.constant 1 : i32
        %shift_right_arithmetic3A_139 = vector.broadcast %shift_right_arithmetic3A : i32 to vector<16xi32>
        %shift_right_arithmetic3A_140 = arith.shrsi %bitcast3A, %shift_right_arithmetic3A_139 : vector<16xi32>
        %sub3A_141 = arith.constant 1597463007 : i32
        %sub3A_142 = vector.broadcast %sub3A_141 : i32 to vector<16xi32>
        %sub3A_143 = arith.subi %sub3A_142, %shift_right_arithmetic3A_140 : vector<16xi32>
        %bitcast3A_144 = vector.bitcast %sub3A_143 : vector<16xi32> to vector<16xf32>
        %mul3A_145 = arith.constant 5.000000e-01 : f32
        %mul3A_146 = vector.broadcast %mul3A_145 : f32 to vector<16xf32>
        %mul3A_147 = arith.mulf %max3A_138, %mul3A_146 : vector<16xf32>
        %mul3A_148 = arith.mulf %mul3A_147, %bitcast3A_144 : vector<16xf32>
        %mul3A_149 = arith.mulf %mul3A_148, %bitcast3A_144 : vector<16xf32>
        %sub3A_150 = arith.constant 1.500000e+00 : f32
        %sub3A_151 = vector.broadcast %sub3A_150 : f32 to vector<16xf32>
        %sub3A_152 = arith.subf %sub3A_151, %mul3A_149 : vector<16xf32>
        %mul3A_153 = arith.mulf %bitcast3A_144, %sub3A_152 : vector<16xf32>
        %mul3A_154 = arith.mulf %mul3A_147, %mul3A_153 : vector<16xf32>
        %mul3A_155 = arith.mulf %mul3A_154, %mul3A_153 : vector<16xf32>
        %sub3A_156 = arith.constant 1.500000e+00 : f32
        %sub3A_157 = vector.broadcast %sub3A_156 : f32 to vector<16xf32>
        %sub3A_158 = arith.subf %sub3A_157, %mul3A_155 : vector<16xf32>
        %mul3A_159 = arith.mulf %mul3A_153, %sub3A_158 : vector<16xf32>
        %mul3A_160 = arith.mulf %max3A_138, %mul3A_159 : vector<16xf32>
        %add3A_161 = arith.addf %scan3A_114, %mul3A_160 : vector<16xf32>
        scf.yield %add3A_161 : vector<16xf32>
      }
      %scan3A_91 = arith.constant 64 : i32
      %mul3A_92 = arith.mulf %scan3A_90, %get3A_4 : vector<16xf32>
      %add3A_93 = arith.addf %mul3A_92, %get3A_8 : vector<16xf32>
      %swap3A_94 = arith.constant 48 : index
      %swap3A_95 = tpu.vector_load %arg19[%swap3A_94] {strides = array<i32>} : memref<80xf32, #tpu.memory_space<vmem>>, vector<16xf32>,
      tpu.vector_store %arg19[%swap3A_94], %add3A_93 {strides = array<i32>} : memref<80xf32, #tpu.memory_space<vmem>>, vector<16xf32>,
      %add3A_96 = arith.constant 64 : i32
      %add3A_97 = vector.broadcast %add3A_96 : i32 to vector<16xi32>
      %add3A_98 = arith.addi %iota3A, %add3A_97 : vector<16xi32>
      %get3A_99 = arith.constant 64 : index
      %get3A_100 = tpu.vector_load %arg13[%get3A_99] {strides = array<i32>} : memref<80xi32, #tpu.memory_space<vmem>>, vector<16xi32>,
      %broadcast_in_dim3A_101 = arith.constant 0.000000e+00 : f32
      %broadcast_in_dim3A_102 = vector.broadcast %broadcast_in_dim3A_101 : f32 to vector<16xf32>
      %scan3A_103 = arith.constant 0 : i32
      %scan3A_104 = arith.constant 64 : i32
      %scan3A_105 = arith.addi %scan3A_103, %scan3A_104 : i32
      %scan3A_106 = arith.constant 1 : i32
      %scan3A_107 = scf.for %scan3A_113 = %scan3A_103 to %scan3A_105 step %scan3A_106 iter_args(%scan3A_114 = %broadcast_in_dim3A_102) -> (vector<16xf32>)  : i32 {
        %broadcast_in_dim3A_115 = arith.constant 0 : i32
        %broadcast_in_dim3A_116 = vector.broadcast %broadcast_in_dim3A_115 : i32 to vector<16xi32>
        %add3A_117 = vector.broadcast %scan3A_113 : i32 to vector<16xi32>
        %add3A_118 = arith.addi %broadcast_in_dim3A_116, %add3A_117 : vector<16xi32>
        %add3A_119 = arith.constant 64 : i32
        %add3A_120 = vector.broadcast %add3A_119 : i32 to vector<16xi32>
        %add3A_121 = arith.addi %add3A_118, %add3A_120 : vector<16xi32>
        %gather3A = tpu.vector_load_idx %arg14[%add3A_98, %add3A_118] : memref<80x128xf32, #tpu.memory_space<vmem>>[vector<16xi32>, vector<16xi32>], vector<16xf32>,
        %gather3A_122 = tpu.vector_load_idx %arg14[%add3A_98, %add3A_121] : memref<80x128xf32, #tpu.memory_space<vmem>>[vector<16xi32>, vector<16xi32>], vector<16xf32>,
        %gather3A_123 = tpu.vector_load_idx %arg15[%add3A_98, %add3A_118] : memref<80x128xf32, #tpu.memory_space<vmem>>[vector<16xi32>, vector<16xi32>], vector<16xf32>,
        %gather3A_124 = tpu.vector_load_idx %arg15[%add3A_98, %add3A_121] : memref<80x128xf32, #tpu.memory_space<vmem>>[vector<16xi32>, vector<16xi32>], vector<16xf32>,
        %gather3A_125 = tpu.vector_load_idx %arg16[%get3A_100, %add3A_118] : memref<64x64xf32, #tpu.memory_space<vmem>>[vector<16xi32>, vector<16xi32>], vector<16xf32>,
        %gather3A_126 = tpu.vector_load_idx %arg17[%get3A_100, %add3A_118] : memref<64x64xf32, #tpu.memory_space<vmem>>[vector<16xi32>, vector<16xi32>], vector<16xf32>,
        %mul3A_127 = arith.mulf %gather3A, %gather3A_125 : vector<16xf32>
        %mul3A_128 = arith.mulf %gather3A_122, %gather3A_126 : vector<16xf32>
        %sub3A = arith.subf %mul3A_127, %mul3A_128 : vector<16xf32>
        %mul3A_129 = arith.mulf %gather3A, %gather3A_126 : vector<16xf32>
        %mul3A_130 = arith.mulf %gather3A_122, %gather3A_125 : vector<16xf32>
        %add3A_131 = arith.addf %mul3A_129, %mul3A_130 : vector<16xf32>
        %sub3A_132 = arith.subf %sub3A, %gather3A_123 : vector<16xf32>
        %sub3A_133 = arith.subf %add3A_131, %gather3A_124 : vector<16xf32>
        %mul3A_134 = arith.mulf %sub3A_132, %sub3A_132 : vector<16xf32>
        %mul3A_135 = arith.mulf %sub3A_133, %sub3A_133 : vector<16xf32>
        %add3A_136 = arith.addf %mul3A_134, %mul3A_135 : vector<16xf32>
        %max3A = arith.constant 1.000000e-30 : f32
        %max3A_137 = vector.broadcast %max3A : f32 to vector<16xf32>
        %max3A_138 = arith.maximumf %add3A_136, %max3A_137 : vector<16xf32>
        %bitcast3A = vector.bitcast %max3A_138 : vector<16xf32> to vector<16xi32>
        %shift_right_arithmetic3A = arith.constant 1 : i32
        %shift_right_arithmetic3A_139 = vector.broadcast %shift_right_arithmetic3A : i32 to vector<16xi32>
        %shift_right_arithmetic3A_140 = arith.shrsi %bitcast3A, %shift_right_arithmetic3A_139 : vector<16xi32>
        %sub3A_141 = arith.constant 1597463007 : i32
        %sub3A_142 = vector.broadcast %sub3A_141 : i32 to vector<16xi32>
        %sub3A_143 = arith.subi %sub3A_142, %shift_right_arithmetic3A_140 : vector<16xi32>
        %bitcast3A_144 = vector.bitcast %sub3A_143 : vector<16xi32> to vector<16xf32>
        %mul3A_145 = arith.constant 5.000000e-01 : f32
        %mul3A_146 = vector.broadcast %mul3A_145 : f32 to vector<16xf32>
        %mul3A_147 = arith.mulf %max3A_138, %mul3A_146 : vector<16xf32>
        %mul3A_148 = arith.mulf %mul3A_147, %bitcast3A_144 : vector<16xf32>
        %mul3A_149 = arith.mulf %mul3A_148, %bitcast3A_144 : vector<16xf32>
        %sub3A_150 = arith.constant 1.500000e+00 : f32
        %sub3A_151 = vector.broadcast %sub3A_150 : f32 to vector<16xf32>
        %sub3A_152 = arith.subf %sub3A_151, %mul3A_149 : vector<16xf32>
        %mul3A_153 = arith.mulf %bitcast3A_144, %sub3A_152 : vector<16xf32>
        %mul3A_154 = arith.mulf %mul3A_147, %mul3A_153 : vector<16xf32>
        %mul3A_155 = arith.mulf %mul3A_154, %mul3A_153 : vector<16xf32>
        %sub3A_156 = arith.constant 1.500000e+00 : f32
        %sub3A_157 = vector.broadcast %sub3A_156 : f32 to vector<16xf32>
        %sub3A_158 = arith.subf %sub3A_157, %mul3A_155 : vector<16xf32>
        %mul3A_159 = arith.mulf %mul3A_153, %sub3A_158 : vector<16xf32>
        %mul3A_160 = arith.mulf %max3A_138, %mul3A_159 : vector<16xf32>
        %add3A_161 = arith.addf %scan3A_114, %mul3A_160 : vector<16xf32>
        scf.yield %add3A_161 : vector<16xf32>
      }
      %scan3A_108 = arith.constant 64 : i32
      %mul3A_109 = arith.mulf %scan3A_107, %get3A_4 : vector<16xf32>
      %add3A_110 = arith.addf %mul3A_109, %get3A_8 : vector<16xf32>
      %swap3A_111 = arith.constant 64 : index
      %swap3A_112 = tpu.vector_load %arg19[%swap3A_111] {strides = array<i32>} : memref<80xf32, #tpu.memory_space<vmem>>, vector<16xf32>,
      tpu.vector_store %arg19[%swap3A_111], %add3A_110 {strides = array<i32>} : memref<80xf32, #tpu.memory_space<vmem>>, vector<16xf32>,
      "tpu.region"() ({
        %run_scoped3A_113 = tpu.sem_alloc : memref<!tpu.dma_semaphore, #tpu.memory_space<semaphore_mem>>
        %dma_start3A_114 = tpu.memref_slice %arg10[%multiple_of3A] : memref<320000xf32, #tpu.memory_space<hbm>> -> memref<80xf32, #tpu.memory_space<hbm>>
        %dma_start3A_115 = tpu.memref_slice %arg10[%multiple_of3A] : memref<320000xf32, #tpu.memory_space<hbm>> -> memref<80xf32, #tpu.memory_space<hbm>>
        tpu.enqueue_dma source(%arg19 : memref<80xf32, #tpu.memory_space<vmem>>) target(%dma_start3A_115 : memref<80xf32, #tpu.memory_space<hbm>>) target_semaphore(%run_scoped3A_113 : memref<!tpu.dma_semaphore, #tpu.memory_space<semaphore_mem>>)
        %dma_wait3A_116 = tpu.memref_slice %arg10[%multiple_of3A] : memref<320000xf32, #tpu.memory_space<hbm>> -> memref<80xf32, #tpu.memory_space<hbm>>
        %dma_wait3A_117 = tpu.memref_slice %arg10[%multiple_of3A] : memref<320000xf32, #tpu.memory_space<hbm>> -> memref<80xf32, #tpu.memory_space<hbm>>
        tpu.wait_dma2 semaphore(%run_scoped3A_113 : memref<!tpu.dma_semaphore, #tpu.memory_space<semaphore_mem>>) src(%arg19 : memref<80xf32, #tpu.memory_space<vmem>>) dst(%dma_wait3A_117 : memref<80xf32, #tpu.memory_space<hbm>>)
        tpu.yield
      }) : () -> ()
    }
    %scan3A_15 = arith.constant 125 : i32
    return
  }
}

</mosaic_0001>

<sc_bundles>
// kernel: rotate_head_score_sc.3.cloned.1.call-start
scs
__scs_entry_jumppad:
0x0: {  	(pc) =	sbr.rel $0x88, $3  }
0x1: {  	(tag) =	ssettag $0x0;
	lr =	simm.s32 $0x1  }
0x2: {  	[smem:$0x3F9B] =	sst lr;
	_ =	strace $0xD0000000  }
0x3: {  	_ = 	snop  }
0x4: {  	_ = 	snop  }
0x5: {  	_ = 	snop  }
0x6: {  	_ = 	snop  }
0x7: {  	_ = 	snop  }
__scs_overlays_trampoline_lowered:
0x8: {  	[smem:$0x3FAA] =	sst s0  }
0x9: {  	[smem:$0x3FAB] =	sst s1  }
0xa: {  	[smem:$0x3FAC] =	sst s2  }
0xb: {  	[smem:$0x3FAD] =	sst s3  }
0xc: {  	[smem:$0x3FAE] =	sst s4  }
0xd: {  	[smem:$0x3FAF] =	sst s5  }
0xe: {  	[smem:$0x3FB0] =	sst s6  }
0xf: {  	[smem:$0x3FB1] =	sst s7  }
0x10: {  	[smem:$0x3FB2] =	sst s8  }
0x11: {  	[smem:$0x3FB3] =	sst s9;
	s0 =	simm.s32 @!p0 $0x0  }
0x12: {  	s1 =	sld [smem:$0x3F99];
	s0 =	simm.s32 @p0 $0x1  }
0x13: {  	[smem:$0x3FB4] =	sst s0;
	s0 =	simm.s32 @!p1 $0x0  }
0x14: {  	s2 =	sld [smem:$0x3F98];
	s0 =	simm.s32 @p1 $0x1  }
0x15: {  	[smem:$0x3FB5] =	sst s0;
	s0 =	simm.s32 @!p2 $0x0  }
0x16: {  	s3 =	sld [smem:$0x3FDB];
	s0 =	simm.s32 @p2 $0x1  }
0x17: {  	s4 =	simm.s32 $0x1BF5;
	[smem:$0x3FB7] =	sst s0  }
0x18: {  	s0 =	sld [smem:$0x3F9A];
	_ =	swait.ge [sflag:s4], $0x0  }
0x19: {  	s7 =	sld [smem:$0x3F9B]  }
0x1a: {  	s8 =	sadd.s32 $0xFFFFE003, lr  }
0x1b: {  	s9 =	sadd.s32 $0xFFFFFEF7, lr;
	s5 =	simm.s32 $0xFFFFFFFF;
	p2 =	slt.u32 s8, $0xFFFFF086  }
0x1c: {  	p1 =	slt.u32 s9, $0xF7A;
	s5 =	simm.s32 @!p2 $0x0  }
0x1d: {  	s5 =	simm.s32 @p1 $0x1;
	p0 =	seq.s32 s7, s2  }
0x1e: {  	s7 =	smul.u32 @!p0 $0xF7A, s2;
	p2 =	seq.s32 @!p0 s5, $0x0  }
0x1f: {  	s9 =	smul.u32 $0xF7A, s1;
	s8 =	simm.s32 @!p0 $0x1BF5;
	p2 =	por !p2, p0  }
0x20: {  	[sflag:s8] =	ssyncset.s32 @!p0 $0xFFFFF086;
	s6 =	sadd.s32 @!p0 s3, s7;
	s7 =	simm.s32 @!p0 $0x108  }
0x21: {  	s3 =	sadd.s32 s3, s9;
	s6 =	sadd.s32 @!p0 $0x88, s6;
	s7 =	simm.s32 @p2 $0x1082  }
0x22: {  	[simem:s7], [sflag:s8] =	dma.local @!p0 [hbm:s6], $0xF7A  }
0x23: {  	s9 =	sor.u32 $0xD0000000, s2;
	s6 =	simm.s32 $0x108;
	_ =	swait.ge @!p0 [sflag:s8], $0x0  }
0x24: {  	s3 =	sadd.s32 $0x88, s3;
	s6 =	simm.s32 @!p1 $0x1082;
	[sflag:s4] =	ssyncset.s32 $0xFFFFF086  }
0x25: {  	[simem:s6], [sflag:s4] =	dma.local [hbm:s3], $0xF7A  }
0x26: {  	[smem:$0x3F9B] =	sst s1;
	(tag) =	ssettag s2;
	_ =	strace s9  }
0x27: {  	s1 =	sld [smem:$0x3FAB]  }
0x28: {  	s2 =	sld [smem:$0x3FAC]  }
0x29: {  	s4 =	sld [smem:$0x3FAE]  }
0x2a: {  	p0 =	seq.s32 s5, $0x0;
	s5 =	sld [smem:$0x3FAF]  }
0x2b: {  	s6 =	sld [smem:$0x3FB0]  }
0x2c: {  	s7 =	sld [smem:$0x3FB1]  }
0x2d: {  	s3 =	simm.s32 $0x108;
	s8 =	sld [smem:$0x3FB2]  }
0x2e: {  	s3 =	simm.s32 @!p0 $0x1082;
	s9 =	sld [smem:$0x3FB3]  }
0x2f: {  	lr =	sadd.s32 s0, s3;
	s0 =	sld [smem:$0x3FAA]  }
0x30: {  	s3 =	sld [smem:$0x3FAD]  }
0x31: {  	[smem:$0x3FB6] =	sst s10  }
0x32: {  	s10 =	sld [smem:$0x3FB4];
	_ =	sdelay $0x3  }
0x33: {  	p0 =	seq.s32 s10, $0x1;
	s10 =	sld [smem:$0x3FB6];
	_ =	sdelay $0x3  }
0x34: {  	[smem:$0x3FB6] =	sst s10  }
0x35: {  	s10 =	sld [smem:$0x3FB5];
	_ =	sdelay $0x3  }
0x36: {  	p1 =	seq.s32 s10, $0x1;
	s10 =	sld [smem:$0x3FB6];
	_ =	sdelay $0x3  }
0x37: {  	[smem:$0x3FB6] =	sst s10  }
0x38: {  	s10 =	sld [smem:$0x3FB7]  }
0x39: {  	_ = 	snop;
	(pc) =	sbr.ind lr, $3  }
0x3a: {  	_ = 	snop  }
0x3b: {  	_ = 	snop  }
0x3c: {  	p2 =	seq.s32 s10, $0x1;
	s10 =	sld [smem:$0x3FB6]  }
0x3d: {  	_ =	shalt  }
0x3e: {  	_ =	shalt  }
0x3f: {  	_ =	shalt  }
0x40: {  	_ =	shalt  }
0x41: {  	_ =	shalt  }
0x42: {  	_ =	shalt  }
0x43: {  	_ =	shalt  }
0x44: {  	_ =	shalt  }
0x45: {  	_ =	shalt  }
0x46: {  	_ =	shalt  }
0x47: {  	_ =	shalt  }
0x48: {  	_ =	shalt  }
0x49: {  	_ =	shalt  }
0x4a: {  	_ =	shalt  }
0x4b: {  	_ =	shalt  }
0x4c: {  	_ =	shalt  }
0x4d: {  	_ =	shalt  }
0x4e: {  	_ =	shalt  }
0x4f: {  	_ =	shalt  }
0x50: {  	_ =	shalt  }
0x51: {  	_ =	shalt  }
0x52: {  	_ =	shalt  }
0x53: {  	_ =	shalt  }
0x54: {  	_ =	shalt  }
0x55: {  	_ =	shalt  }
0x56: {  	_ =	shalt  }
0x57: {  	_ =	shalt  }
0x58: {  	_ =	shalt  }
0x59: {  	_ =	shalt  }
0x5a: {  	_ =	shalt  }
0x5b: {  	_ =	shalt  }
0x5c: {  	_ =	shalt  }
0x5d: {  	_ =	shalt  }
0x5e: {  	_ =	shalt  }
0x5f: {  	_ =	shalt  }
0x60: {  	_ =	shalt  }
0x61: {  	_ =	shalt  }
0x62: {  	_ =	shalt  }
0x63: {  	_ =	shalt  }
0x64: {  	_ =	shalt  }
0x65: {  	_ =	shalt  }
0x66: {  	_ =	shalt  }
0x67: {  	_ =	shalt  }
0x68: {  	_ =	shalt  }
0x69: {  	_ =	shalt  }
0x6a: {  	_ =	shalt  }
0x6b: {  	_ =	shalt  }
0x6c: {  	_ =	shalt  }
0x6d: {  	_ =	shalt  }
0x6e: {  	_ =	shalt  }
0x6f: {  	_ =	shalt  }
0x70: {  	_ =	shalt  }
0x71: {  	_ =	shalt  }
0x72: {  	_ =	shalt  }
0x73: {  	_ =	shalt  }
0x74: {  	_ =	shalt  }
0x75: {  	_ =	shalt  }
0x76: {  	_ =	shalt  }
0x77: {  	_ =	shalt  }
0x78: {  	_ =	shalt  }
0x79: {  	_ =	shalt  }
0x7a: {  	_ =	shalt  }
0x7b: {  	_ =	shalt  }
0x7c: {  	_ =	shalt  }
0x7d: {  	_ =	shalt  }
0x7e: {  	_ =	shalt  }
0x7f: {  	_ =	shalt  }
0x80: {  	_ =	shalt  }
0x81: {  	_ =	shalt  }
0x82: {  	_ =	shalt  }
0x83: {  	_ =	shalt  }
0x84: {  	_ =	shalt  }
0x85: {  	_ =	shalt  }
0x86: {  	_ =	shalt  }
0x87: {  	_ =	shalt  }
.Lfunc_end0:
.L_simem_size_0:
called_computation_lowered:
.L_overlay_start_0:
0x88: {  	s2 =	sld [smem:$0x3FD9]  }
0x89: {  	s3 =	sld [smem:$0x3FFE];
	_ =	sdelay $0x1  }
0x8a: {  	s1 =	srdreg.scid  }
0x8b: {  	s0 =	sand.u32 $0x1, s1  }
0x8c: {  	s17 =	sshll.u32 s0, $0xA;
	s2 =	sadd.s32 s3, s2  }
0x8d: {  	s2 =	sadd.s32 s2, s17  }
0x8e: {  	[smem:$0x3FC2] =	sst s2  }
0x8f: {  	_ = 	snop  }
0x90: {  	s2 =	sld [smem:$0x3FC9]  }
0x91: {  	s18 =	sld [smem:$0x3FC7]  }
0x92: {  	s4 =	sld [smem:$0x3FD0];
	(tm) =	ssettm $0x1  }
0x93: {  	s5 =	sld [smem:$0x3FFB];
	_ =	sdelay $0x3  }
0x94: {  	_ =	strace s5  }
0x95: {  	s5 =	sld [smem:$0x3FFC];
	_ =	sdelay $0x3  }
0x96: {  	_ =	strace s5  }
0x97: {  	s5 =	sld [smem:$0x3FFD];
	_ =	sdelay $0x3  }
0x98: {  	_ =	strace s5  }
0x99: {  	_ =	strace $0x8FFFFFFF  }
0x9a: {  	s19 =	sld [smem:$0x3FDB];
	_ =	sdelay $0x1  }
0x9b: {  	s6 =	simm.s32 $_scs_section_size  }
0x9c: {  	s7 =	simm.s32 $_size__tile_overlayer_lowered;
	s8 =	simm.s32 $_tile_overlayer_lowered  }
0x9d: {  	s22 =	simm.s32 $0x1BFF;
	s21 =	sshll.u32 s8, $0x1;
	s5 =	sadd.s32 s6, s19  }
0x9e: {  	s9 =	simm.s32 $0x0;
	s20 =	sshll.u32 s7, $0x1;
	s7 =	sadd.s32 s21, s5  }
0x9f: {  	[timem:s9], [sflag:s22] =	dma.local [hbm:s7], s20  }
0xa0: {  	_ =	swait.ge [sflag:s22], s20  }
0xa1: {  	s6 =	ssub.s32 $0x0, s20;
	[sflag:s22] =	ssyncset.done $0x0  }
0xa2: {  	[sflag:s22] =	ssyncadd.s32 s6;
	_ =	sdelay $0x1  }
0xa3: {  	s23 =	simm.s32 $0x1B8B  }
0xa4: {  	_ =	swait.ge [sflag:s23], $0x1  }
0xa5: {  	[sflag:s23] =	ssyncset.done $0x0  }
0xa6: {  	s25 =	simm.s32 $0x1B8E;
	s24 =	sld [smem:$0x3FFE];
	[sflag:s23] =	ssyncadd.s32 $0xFFFFFFFF  }
0xa7: {  	s26 =	simm.s32 $execute0_lowered;
	[smem:$0x3FD2] =	sst s25  }
0xa8: {  	s7 =	sshll.u32 s26, $0x1;
	_ =	strace $0x80000046;
	[dreg:$0x1] =	wrdreg $0xFFFFFFFF  }
0xa9: {  	s28 =	simm.s32 $_size_execute0_lowered;
	s5 =	sadd.s32 s5, s7;
	[dreg:$0x0] =	wrdreg $0x0  }
0xaa: {  	s7 =	sshll.u32 s28, $0x1;
	[dreg:$0x2] =	wrdreg s5  }
0xab: {  	[dreg:$0x3] =	wrdreg s7  }
0xac: {  	[dreg:$0x4] =	wrdreg $0xC0  }
0xad: {  	_ =	task [dreg:s9], $0x5FFFF  }
0xae: {  	[dreg:$0x1] =	wrdreg $0xFFFFFFFF  }
0xaf: {  	[dreg:$0x0] =	wrdreg $0x60  }
0xb0: {  	[dreg:$0x2] =	wrdreg s2  }
0xb1: {  	[dreg:$0x3] =	wrdreg s24  }
0xb2: {  	[dreg:$0x4] =	wrdreg s18  }
0xb3: {  	[dreg:$0x5] =	wrdreg s4  }
0xb4: {  	[dreg:$0x6] =	wrdreg $0x9  }
0xb5: {  	_ =	task.clear_ibuf [dreg:s9], $0x7FFFF;
	_ =	strace $0x90000046  }
0xb6: {  	s29 =	simm.s32 $0x9;
	_ =	strace $0x80000048  }
0xb7: {  	_ =	swait.ge [sflag:s29], $0x1  }
0xb8: {  	[sflag:s29] =	ssyncadd.s32 $0xFFFFFFFF  }
0xb9: {  	_ =	strace $0x90000048  }
0xba: {  	_ =	sfence  }
0xbb: {  	s30 =	sld [smem:$0x0];
	_ =	sdelay $0x2  }
0xbc: {  	s31 =	sshll.u32 s1, $0xD;
	s1 =	sshrl.u32 s1, $0x2  }
0xbd: {  	s3 =	sand.u32 $0x4000, s31;
	s1 =	sadd.s32 s1, s30  }
0xbe: {  	s0 =	sor.u32 s3, s0;
	s1 =	sshll.u32 s1, $0x11  }
0xbf: {  	s0 =	sor.u32 s1, s0  }
0xc0: {  	s0 =	sadd.s32 $0x8F2B, s0  }
0xc1: {  	[sflag:s0] =	ssyncadd.remote.s32 $0x1  }
0xc2: {  	_ =	sfence.sel $0xFFFF  }
0xc3: {  	[dreg:$0x0] =	wrdreg $0xFFFFFFFF;
	(pc) =	sbr.abs _section_cstart, $3  }
0xc4: {  	[dreg:$0x1] =	wrdreg $0xFFFFFFFF  }
0xc5: {  	_ =	task.clear_ibuf [dreg:s9], $0x2FFFF;
	_ =	strace $0x9FFFFFFF  }
0xc6: {  	(tm) =	ssettm $0x7FFFFFFF  }
0xc7: {  	_ =	shalt  }
tec
execute0_lowered:
.L_overlay_start_1:
0x0: {  	(tag) =	ssettag $0x1  }
0x1: {  	s1 =	rddreg [dreg:$0x0]  }
0x2: {  	s2 =	rddreg [dreg:$0x1]  }
0x3: {  	s3 =	rddreg [dreg:$0x2]  }
0x4: {  	s4 =	rddreg [dreg:$0x3];
	s5 =	simm.s32 $0x0;
	s9 =	srdreg.scid  }
0x5: {  	s6 =	stileid.u32;
	s15 =	simm.s32 $0x3;
	s16 =	simm.s32 $0x7180  }
0x6: {  	s17 =	simm.s32 $0x9180;
	s18 =	simm.s32 $0x9200;
	s19 =	simm.s32 $0x80  }
0x7: {  	s20 =	simm.s32 $0x100;
	s21 =	simm.s32 $0x50;
	s22 =	simm.s32 $0x180  }
0x8: {  	s23 =	simm.s32 $0x2980;
	s24 =	simm.s32 $0x1;
	s25 =	simm.s32 $0x2  }
0x9: {  	v0 =	vlaneseq.u32;
	s26 =	simm.s32 $0x9280;
	s28 =	simm.s32 $0x0;
	[smem:$0x7FF] =	sst s5  }
0xa: {  	s7 =	sadd.s32 $0xA600, s2;
	s8 =	sadd.s32 $0x800, s2;
	s11 =	sand.u32 $0x1, s9;
	v0 =	vmul.u32 $0x80, v0  }
0xb: {  	s9 =	sadd.s32 $0x400, s2;
	s13 =	sshll.u32 s6, $0x1;
	s12 =	ssub.s32 $0x2, s11  }
0xc: {  	s10 =	sadd.s32 $0x14400, s2;
	_ =	strace $0x80000047;
	s14 =	sshrl.u32 s12, $0x1;
	v1 =	vor.u32 $0x40, v0  }
0xd: {  	s13 =	sor.u32 s11, s13;
	s11 =	sadd.s32 $0x14600, s2;
	v2 =	vor.u32 $0x800, v0;
	v3 =	vor.u32 $0x840, v0;
	v4 =	vor.u32 $0x1000, v0;
	s14 =	ssub.s32 s12, s14  }
0xe: {  	v5 =	vor.u32 $0x1040, v0;
	v6 =	vor.u32 $0x1800, v0;
	v7 =	vor.u32 $0x1840, v0;
	s12 =	smul.u32 $0x2710, s13;
	s13 =	smax.u32 s14, $0x1;
	s14 =	simm.s32 $0x5180  }
.LBB2_1:
0xf: {  	[tilespmem:s14], [sflag:$0x3] =	stream.linear.gather [hbm4b:s9+s5], $0x2000, $0x38;
	[tilespmem:$0x9300] =	vst v63  }
0x10: {  	_ =	swait.ge [sflag:s15], $0x2000  }
0x11: {  	[sflag:s15] =	ssyncset.done $0x0  }
0x12: {  	[sflag:s15] =	ssyncadd.s32 $0xFFFFE000  }
0x13: {  	[tilespmem:s16], [sflag:$0x3] =	stream.linear.gather [hbm4b:s2+s5], $0x2000, $0x38;
	[tilespmem:$0x9300] =	vst v63  }
0x14: {  	_ =	swait.ge [sflag:s15], $0x2000  }
0x15: {  	[sflag:s15] =	ssyncset.done $0x0  }
0x16: {  	[sflag:s15] =	ssyncadd.s32 $0xFFFFE000  }
0x17: {  	[tilespmem:s17], [sflag:$0x3] =	stream.linear.gather [hbm4b:s10+s5], $0x80, $0x38;
	[tilespmem:$0x9300] =	vst v63  }
0x18: {  	_ =	swait.ge [sflag:s15], $0x80  }
0x19: {  	[sflag:s15] =	ssyncset.done $0x0  }
0x1a: {  	[sflag:s15] =	ssyncadd.s32 $0xFFFFFF80  }
0x1b: {  	[tilespmem:s18], [sflag:$0x3] =	stream.linear.gather [hbm4b:s11+s5], $0x80, $0x38;
	[tilespmem:$0x9300] =	vst v63  }
0x1c: {  	_ =	swait.ge [sflag:s15], $0x80  }
0x1d: {  	[sflag:s15] =	ssyncset.done $0x0  }
0x1e: {  	[sflag:s15] =	ssyncadd.s32 $0xFFFFFF80  }
0x1f: {  	v8 =	vld [tilespmem:$0x9180]  }
0x20: {  	s29 =	simm.s32 $0x0;
	v9 =	vld [tilespmem:$0x9200]  }
.LBB2_2:
0x21: {  	s30 =	smul.u32 $0x50, s29;
	_ =	sdelay $0x1  }
0x22: {  	s30 =	sadd.s32 s12, s30  }
0x23: {  	s30 =	sshrl.u32 s30, $0x3  }
0x24: {  	s0 =	simm.s32 $0x0;
	s31 =	sadd.s32 s7, s30  }
0x25: {  	[tilespmem:s0], [sflag:$0x3] =	stream.linear.gather [hbm4b:s31+s0], $0x50, $0x38;
	[tilespmem:$0x9300] =	vst v63  }
0x26: {  	_ =	swait.ge [sflag:s15], $0x50  }
0x27: {  	[sflag:s15] =	ssyncset.done $0x0  }
0x28: {  	s31 =	sadd.s32 s8, s30;
	[sflag:s15] =	ssyncadd.s32 $0xFFFFFFB0  }
0x29: {  	[tilespmem:s19], [sflag:$0x3] =	stream.linear.gather [hbm4b:s31+s0], $0x50, $0x38;
	[tilespmem:$0x9300] =	vst v63  }
0x2a: {  	_ =	swait.ge [sflag:s15], $0x50  }
0x2b: {  	[sflag:s15] =	ssyncset.done $0x0  }
0x2c: {  	s31 =	sadd.s32 s3, s30;
	[sflag:s15] =	ssyncadd.s32 $0xFFFFFFB0  }
0x2d: {  	[tilespmem:s20], [sflag:$0x3] =	stream.linear.gather [hbm4b:s31+s0], $0x50, $0x38;
	[tilespmem:$0x9300] =	vst v63  }
0x2e: {  	_ =	swait.ge [sflag:s15], $0x50  }
0x2f: {  	[sflag:s15] =	ssyncset.done $0x0  }
0x30: {  	[sflag:s15] =	ssyncadd.s32 $0xFFFFFFB0  }
0x31: {  	[tilespmem:s22], [sflag:$0x1] =	stream.indirect.gather [hbm4b:s1+s21], $0x80, s0, s21, $0xb8;
	[tilespmem:$0x9300] =	vst v63  }
0x32: {  	_ = 	snop  }
0x33: {  	[tilespmem:s23], [sflag:$0x2] =	stream.indirect.gather [hbm4b:s1+s21], $0x80, s19, s21, $0xb8;
	[tilespmem:$0x9300] =	vst v63  }
0x34: {  	_ =	swait.ge [sflag:s24], $0x2800  }
0x35: {  	[sflag:s24] =	ssyncset.done $0x0  }
0x36: {  	[sflag:s24] =	ssyncadd.s32 $0xFFFFD800  }
0x37: {  	_ =	swait.ge [sflag:s25], $0x2800  }
0x38: {  	[sflag:s25] =	ssyncset.done $0x0  }
0x39: {  	[sflag:s25] =	ssyncadd.s32 $0xFFFFD800  }
0x3a: {  	v10 =	vld [tilespmem:$0x100];
	_ =	sdelay $0x4  }
0x3b: {  	v11 =	vshll.u32 v10, $0x7;
	v10 =	vor.u32 s0, v0  }
0x3c: {  	v12 =	vadd.s32 s0, v11;
	_ =	sdelay $0x1  }
0x3d: {  	v13 =	vor.u32 s0, v1;
	_ =	sdelay $0x1  }
0x3e: {  	v14 =	vld.idx.msk [tilespmem:v10+s22+$0x0], $0xffff  }
0x3f: {  	v15 =	vld.idx.msk [tilespmem:v12+s14+$0x0], $0xffff  }
0x40: {  	v12 =	vld.idx.msk [tilespmem:v12+s16+$0x0], $0xffff  }
0x41: {  	v16 =	vld.idx.msk [tilespmem:v13+s22+$0x0], $0xffff  }
0x42: {  	s0 =	simm.s32 $0x1  }
0x43: {  	v17 =	vor.u32 s0, v0  }
0x44: {  	v13 =	vld.idx.msk [tilespmem:v13+s23+$0x0], $0xffff;
	v18 =	vadd.s32 s0, v11  }
0x45: {  	v10 =	vld.idx.msk [tilespmem:v10+s23+$0x0], $0xffff;
	v19 =	vmul.f32 v15, v14;
	v14 =	vmul.f32 v12, v14  }
0x46: {  	v20 =	vor.u32 s0, v1;
	v12 =	vmul.f32 v12, v16;
	v15 =	vmul.f32 v15, v16;
	_ =	sdelay $0x1  }
0x47: {  	v16 =	vld.idx.msk [tilespmem:v17+s22+$0x0], $0xffff;
	v12 =	vsub.f32 v19, v12;
	v14 =	vadd.f32 v14, v15  }
0x48: {  	v15 =	vld.idx.msk [tilespmem:v18+s14+$0x0], $0xffff  }
0x49: {  	v18 =	vld.idx.msk [tilespmem:v18+s16+$0x0], $0xffff;
	v10 =	vsub.f32 v12, v10;
	v12 =	vsub.f32 v14, v13  }
0x4a: {  	v13 =	vld.idx.msk [tilespmem:v20+s22+$0x0], $0xffff  }
0x4b: {  	s0 =	simm.s32 $0x2;
	v10 =	vmul.f32 v10, v10;
	v12 =	vmul.f32 v12, v12  }
0x4c: {  	v14 =	vor.u32 s0, v0  }
0x4d: {  	v17 =	vld.idx.msk [tilespmem:v17+s23+$0x0], $0xffff;
	v19 =	vadd.s32 s0, v11;
	v10 =	vadd.f32 v12, v10  }
0x4e: {  	v21 =	vmul.f32 v15, v16;
	v16 =	vmul.f32 v18, v16;
	v12 =	vld.idx.msk [tilespmem:v20+s23+$0x0], $0xffff;
	v20 =	vor.u32 s0, v1  }
0x4f: {  	v18 =	vmul.f32 v18, v13;
	v13 =	vmul.f32 v15, v13;
	v10 =	vmax.f32 v10, $1.000000000e-30  }
0x50: {  	v15 =	vshra.s32 v10, $0x1;
	v22 =	vmul.f32 $5.000000000e-01, v10  }
0x51: {  	v23 =	vld.idx.msk [tilespmem:v14+s22+$0x0], $0xffff;
	v18 =	vsub.f32 v21, v18;
	v13 =	vadd.f32 v16, v13;
	v15 =	vsub.s32 $0x5F3759DF, v15  }
0x52: {  	v16 =	vld.idx.msk [tilespmem:v19+s14+$0x0], $0xffff;
	v21 =	vmul.f32 v15, v22  }
0x53: {  	v19 =	vld.idx.msk [tilespmem:v19+s16+$0x0], $0xffff;
	v17 =	vsub.f32 v18, v17;
	v12 =	vsub.f32 v13, v12  }
0x54: {  	v13 =	vld.idx.msk [tilespmem:v20+s22+$0x0], $0xffff;
	v18 =	vmul.f32 v15, v21  }
0x55: {  	s0 =	simm.s32 $0x3;
	v17 =	vmul.f32 v17, v17;
	v12 =	vmul.f32 v12, v12  }
0x56: {  	v25 =	vadd.s32 s0, v11;
	v18 =	vsub.f32 $1.500000000e+00, v18  }
0x57: {  	v24 =	vld.idx.msk [tilespmem:v14+s23+$0x0], $0xffff;
	v21 =	vor.u32 s0, v0;
	v26 =	vmul.f32 v16, v23;
	v12 =	vadd.f32 v12, v17  }
0x58: {  	v27 =	vor.u32 s0, v1;
	v20 =	vld.idx.msk [tilespmem:v20+s23+$0x0], $0xffff;
	v23 =	vmul.f32 v19, v23;
	v29 =	vmul.f32 v15, v18  }
0x59: {  	v15 =	vmul.f32 v19, v13;
	v13 =	vmul.f32 v16, v13;
	v12 =	vmax.f32 v12, $1.000000000e-30  }
0x5a: {  	v16 =	vshra.s32 v12, $0x1;
	v14 =	vmul.f32 $5.000000000e-01, v12;
	v18 =	vmul.f32 v29, v22  }
0x5b: {  	v19 =	vld.idx.msk [tilespmem:v25+s14+$0x0], $0xffff;
	v22 =	vsub.f32 v26, v15;
	v13 =	vadd.f32 v23, v13;
	v15 =	vsub.s32 $0x5F3759DF, v16  }
0x5c: {  	v17 =	vld.idx.msk [tilespmem:v21+s22+$0x0], $0xffff;
	v16 =	vmul.f32 v15, v14  }
0x5d: {  	s0 =	simm.s32 $0x4;
	v23 =	vld.idx.msk [tilespmem:v25+s16+$0x0], $0xffff;
	v26 =	vmul.f32 v18, v29;
	v22 =	vsub.f32 v22, v24;
	v20 =	vsub.f32 v13, v20  }
0x5e: {  	v25 =	vld.idx.msk [tilespmem:v27+s22+$0x0], $0xffff;
	v13 =	vimm.f32 $0.0e+00;
	v18 =	vor.u32 s0, v0;
	v16 =	vmul.f32 v15, v16  }
0x5f: {  	v30 =	vsub.f32 $1.500000000e+00, v26;
	v31 =	vmul.f32 v22, v22;
	v32 =	vmul.f32 v20, v20  }
0x60: {  	v20 =	vld.idx.msk [tilespmem:v21+s23+$0x0], $0xffff;
	v21 =	vor.u32 s0, v1;
	v26 =	vadd.s32 s0, v11;
	v24 =	vsub.f32 $1.500000000e+00, v16  }
0x61: {  	s31 =	simm.s32 $0x5;
	v22 =	vld.idx.msk [tilespmem:v27+s23+$0x0], $0xffff;
	v28 =	vmul.f32 v19, v17;
	v27 =	vadd.f32 v32, v31;
	v16 =	vmul.f32 v30, v29  }
.LBB2_3:
0x62: {  	p0 =	sne.s32 s31, $0x3F;
	v29 =	vmul.f32 v23, v17;
	v30 =	vmul.f32 v15, v24;
	s0 =	smov.u32 s31;
	s31 =	sadd.s32 $0x1, s31  }
0x63: {  	v15 =	vmul.f32 v23, v25;
	v23 =	vmul.f32 v19, v25;
	v24 =	vmax.f32 v27, $1.000000000e-30  }
0x64: {  	v17 =	vld.idx.msk [tilespmem:v18+s22+$0x0], $0xffff;
	v25 =	vshra.s32 v24, $0x1;
	v27 =	vmul.f32 v30, v14;
	v14 =	vmul.f32 $5.000000000e-01, v24  }
0x65: {  	v28 =	vsub.f32 v28, v15;
	v29 =	vadd.f32 v29, v23;
	v19 =	vld.idx.msk [tilespmem:v26+s14+$0x0], $0xffff;
	v15 =	vsub.s32 $0x5F3759DF, v25  }
0x66: {  	v23 =	vld.idx.msk [tilespmem:v26+s16+$0x0], $0xffff;
	v26 =	vmul.f32 v15, v14;
	v27 =	vmul.f32 v27, v30  }
.Ltmp0:
0x67: {  	v16 =	vmul.f32 v16, v10;
	v28 =	vsub.f32 v28, v20;
	v29 =	vsub.f32 v29, v22;
	v25 =	vld.idx.msk [tilespmem:v21+s22+$0x0], $0xffff;
	(pc) =	sbr.rel @p0 .LBB2_3-.Ltmp0, $4  }
0x68: {  	v10 =	vmovc v12;
	v12 =	vmovc v24;
	v20 =	vld.idx.msk [tilespmem:v18+s23+$0x0], $0xffff;
	v18 =	vor.u32 s0, v0;
	v31 =	vmul.f32 v15, v26;
	v32 =	vsub.f32 $1.500000000e+00, v27  }
0x69: {  	v13 =	vadd.f32 v16, v13;
	v27 =	vmul.f32 v28, v28;
	v29 =	vmul.f32 v29, v29;
	v22 =	vld.idx.msk [tilespmem:v21+s23+$0x0], $0xffff  }
0x6a: {  	v26 =	vadd.s32 s0, v11;
	v21 =	vor.u32 s0, v1;
	v24 =	vsub.f32 $1.500000000e+00, v31  }
0x6b: {  	v28 =	vmul.f32 v19, v17;
	v27 =	vadd.f32 v29, v27;
	v16 =	vmul.f32 v32, v30  }
0x6c: {  	_ =	sdelay $0x3  }
0x6d: {  	v11 =	vld.idx.msk [tilespmem:v18+s22+$0x0], $0xffff  }
0x6e: {  	v29 =	vld.idx.msk [tilespmem:v26+s14+$0x0], $0xffff  }
0x6f: {  	v26 =	vld.idx.msk [tilespmem:v26+s16+$0x0], $0xffff  }
0x70: {  	v30 =	vld.idx.msk [tilespmem:v21+s22+$0x0], $0xffff  }
0x71: {  	v31 =	vmul.f32 v23, v25  }
0x72: {  	v17 =	vmul.f32 v23, v17;
	v19 =	vmul.f32 v19, v25  }
0x73: {  	v18 =	vld.idx.msk [tilespmem:v18+s23+$0x0], $0xffff;
	v23 =	vsub.f32 v28, v31  }
0x74: {  	v17 =	vadd.f32 v17, v19;
	v19 =	vld.idx.msk [tilespmem:v21+s23+$0x0], $0xffff;
	v21 =	vmul.f32 v29, v11;
	v11 =	vmul.f32 v26, v11  }
0x75: {  	v25 =	vmul.f32 v26, v30;
	v26 =	vmul.f32 v29, v30  }
0x76: {  	v20 =	vsub.f32 v23, v20;
	v17 =	vsub.f32 v17, v22  }
0x77: {  	v21 =	vsub.f32 v21, v25;
	v11 =	vadd.f32 v11, v26  }
0x78: {  	v20 =	vmul.f32 v20, v20;
	v17 =	vmul.f32 v17, v17  }
0x79: {  	v22 =	vmax.f32 v27, $1.000000000e-30;
	v18 =	vsub.f32 v21, v18;
	v11 =	vsub.f32 v11, v19  }
0x7a: {  	v17 =	vadd.f32 v17, v20;
	v21 =	vmul.f32 $5.000000000e-01, v22  }
0x7b: {  	v19 =	vshra.s32 v22, $0x1;
	v18 =	vmul.f32 v18, v18;
	v11 =	vmul.f32 v11, v11  }
0x7c: {  	v19 =	vsub.s32 $0x5F3759DF, v19  }
0x7d: {  	v17 =	vmax.f32 v17, $1.000000000e-30;
	v20 =	vmul.f32 v19, v21;
	v11 =	vadd.f32 v11, v18  }
0x7e: {  	v23 =	vmul.f32 $5.000000000e-01, v17;
	v18 =	vshra.s32 v17, $0x1  }
0x7f: {  	v20 =	vmul.f32 v19, v20;
	v18 =	vsub.s32 $0x5F3759DF, v18;
	v11 =	vmax.f32 v11, $1.000000000e-30  }
0x80: {  	v25 =	vmul.f32 v18, v23;
	v26 =	vshra.s32 v11, $0x1;
	v27 =	vmul.f32 $5.000000000e-01, v11  }
0x81: {  	v15 =	vmul.f32 v15, v24;
	v20 =	vsub.f32 $1.500000000e+00, v20;
	v24 =	vsub.s32 $0x5F3759DF, v26  }
0x82: {  	v25 =	vmul.f32 v18, v25;
	v26 =	vmul.f32 v24, v27  }
0x83: {  	v14 =	vmul.f32 v15, v14;
	v19 =	vmul.f32 v19, v20  }
0x84: {  	v20 =	vsub.f32 $1.500000000e+00, v25;
	v25 =	vmul.f32 v24, v26  }
0x85: {  	v14 =	vmul.f32 v14, v15;
	v21 =	vmul.f32 v19, v21  }
0x86: {  	v18 =	vmul.f32 v18, v20;
	v20 =	vsub.f32 $1.500000000e+00, v25  }
0x87: {  	v14 =	vsub.f32 $1.500000000e+00, v14;
	v21 =	vmul.f32 v21, v19  }
0x88: {  	v23 =	vmul.f32 v18, v23;
	v20 =	vmul.f32 v24, v20  }
0x89: {  	v10 =	vmul.f32 v16, v10;
	v14 =	vmul.f32 v14, v15  }
0x8a: {  	v15 =	vsub.f32 $1.500000000e+00, v21;
	v16 =	vmul.f32 v23, v18;
	v21 =	vmul.f32 v20, v27  }
0x8b: {  	v10 =	vadd.f32 v10, v13;
	v12 =	vmul.f32 v14, v12  }
0x8c: {  	v13 =	vmul.f32 v15, v19;
	v14 =	vsub.f32 $1.500000000e+00, v16;
	v15 =	vmul.f32 v21, v20  }
0x8d: {  	v10 =	vadd.f32 v12, v10  }
0x8e: {  	v12 =	vmul.f32 v13, v22;
	v13 =	vmul.f32 v14, v18;
	v14 =	vsub.f32 $1.500000000e+00, v15;
	_ =	sdelay $0x1  }
0x8f: {  	v10 =	vadd.f32 v12, v10;
	v12 =	vmul.f32 v13, v17;
	v13 =	vmul.f32 v14, v20  }
0x90: {  	v14 =	vld [tilespmem:$0x110]  }
0x91: {  	v10 =	vadd.f32 v12, v10;
	v11 =	vmul.f32 v13, v11;
	_ =	sdelay $0x1  }
0x92: {  	v10 =	vadd.f32 v11, v10  }
0x93: {  	s0 =	simm.s32 $0x0  }
0x94: {  	v12 =	vor.u32 s0, v2;
	v11 =	vshll.u32 v14, $0x7;
	v10 =	vmul.f32 v10, v8  }
0x95: {  	v13 =	vadd.s32 s0, v11  }
0x96: {  	v10 =	vadd.f32 v10, v9  }
0x97: {  	v14 =	vor.u32 s0, v3  }
0x98: {  	[tilespmem:$0x9280] =	vst v10  }
0x99: {  	v10 =	vld.idx.msk [tilespmem:v12+s22+$0x0], $0xffff  }
0x9a: {  	v15 =	vld.idx.msk [tilespmem:v13+s14+$0x0], $0xffff  }
0x9b: {  	v13 =	vld.idx.msk [tilespmem:v13+s16+$0x0], $0xffff  }
0x9c: {  	v16 =	vld.idx.msk [tilespmem:v14+s22+$0x0], $0xffff  }
0x9d: {  	s0 =	simm.s32 $0x1  }
0x9e: {  	v17 =	vor.u32 s0, v2  }
0x9f: {  	v18 =	vadd.s32 s0, v11;
	v12 =	vld.idx.msk [tilespmem:v12+s23+$0x0], $0xffff  }
0xa0: {  	v14 =	vld.idx.msk [tilespmem:v14+s23+$0x0], $0xffff;
	v19 =	vmul.f32 v15, v10;
	v10 =	vmul.f32 v13, v10  }
0xa1: {  	v20 =	vor.u32 s0, v3;
	v13 =	vmul.f32 v13, v16;
	v15 =	vmul.f32 v15, v16;
	_ =	sdelay $0x1  }
0xa2: {  	v16 =	vld.idx.msk [tilespmem:v17+s22+$0x0], $0xffff;
	v13 =	vsub.f32 v19, v13;
	v10 =	vadd.f32 v10, v15  }
0xa3: {  	v15 =	vld.idx.msk [tilespmem:v18+s14+$0x0], $0xffff  }
0xa4: {  	v18 =	vld.idx.msk [tilespmem:v18+s16+$0x0], $0xffff;
	v12 =	vsub.f32 v13, v12;
	v10 =	vsub.f32 v10, v14  }
0xa5: {  	v13 =	vld.idx.msk [tilespmem:v20+s22+$0x0], $0xffff  }
0xa6: {  	s0 =	simm.s32 $0x2;
	v12 =	vmul.f32 v12, v12;
	v10 =	vmul.f32 v10, v10  }
0xa7: {  	v14 =	vor.u32 s0, v2  }
0xa8: {  	v17 =	vld.idx.msk [tilespmem:v17+s23+$0x0], $0xffff;
	v19 =	vadd.s32 s0, v11;
	v10 =	vadd.f32 v10, v12  }
0xa9: {  	v21 =	vmul.f32 v15, v16;
	v16 =	vmul.f32 v18, v16;
	v12 =	vld.idx.msk [tilespmem:v20+s23+$0x0], $0xffff;
	v20 =	vor.u32 s0, v3  }
0xaa: {  	v18 =	vmul.f32 v18, v13;
	v13 =	vmul.f32 v15, v13;
	v10 =	vmax.f32 v10, $1.000000000e-30  }
0xab: {  	v15 =	vshra.s32 v10, $0x1;
	v22 =	vmul.f32 $5.000000000e-01, v10  }
0xac: {  	v23 =	vld.idx.msk [tilespmem:v14+s22+$0x0], $0xffff;
	v18 =	vsub.f32 v21, v18;
	v13 =	vadd.f32 v16, v13;
	v15 =	vsub.s32 $0x5F3759DF, v15  }
0xad: {  	v16 =	vld.idx.msk [tilespmem:v19+s14+$0x0], $0xffff;
	v21 =	vmul.f32 v15, v22  }
0xae: {  	v19 =	vld.idx.msk [tilespmem:v19+s16+$0x0], $0xffff;
	v17 =	vsub.f32 v18, v17;
	v12 =	vsub.f32 v13, v12  }
0xaf: {  	v13 =	vld.idx.msk [tilespmem:v20+s22+$0x0], $0xffff;
	v18 =	vmul.f32 v15, v21  }
0xb0: {  	s0 =	simm.s32 $0x3;
	v17 =	vmul.f32 v17, v17;
	v12 =	vmul.f32 v12, v12  }
0xb1: {  	v25 =	vadd.s32 s0, v11;
	v18 =	vsub.f32 $1.500000000e+00, v18  }
0xb2: {  	v24 =	vld.idx.msk [tilespmem:v14+s23+$0x0], $0xffff;
	v21 =	vor.u32 s0, v2;
	v26 =	vmul.f32 v16, v23;
	v12 =	vadd.f32 v12, v17  }
0xb3: {  	v27 =	vor.u32 s0, v3;
	v20 =	vld.idx.msk [tilespmem:v20+s23+$0x0], $0xffff;
	v23 =	vmul.f32 v19, v23;
	v29 =	vmul.f32 v15, v18  }
0xb4: {  	v15 =	vmul.f32 v19, v13;
	v13 =	vmul.f32 v16, v13;
	v12 =	vmax.f32 v12, $1.000000000e-30  }
0xb5: {  	v16 =	vshra.s32 v12, $0x1;
	v14 =	vmul.f32 $5.000000000e-01, v12;
	v18 =	vmul.f32 v29, v22  }
0xb6: {  	v19 =	vld.idx.msk [tilespmem:v25+s14+$0x0], $0xffff;
	v22 =	vsub.f32 v26, v15;
	v13 =	vadd.f32 v23, v13;
	v15 =	vsub.s32 $0x5F3759DF, v16  }
0xb7: {  	v17 =	vld.idx.msk [tilespmem:v21+s22+$0x0], $0xffff;
	v16 =	vmul.f32 v15, v14  }
0xb8: {  	s0 =	simm.s32 $0x4;
	v23 =	vld.idx.msk [tilespmem:v25+s16+$0x0], $0xffff;
	v26 =	vmul.f32 v18, v29;
	v22 =	vsub.f32 v22, v24;
	v20 =	vsub.f32 v13, v20  }
0xb9: {  	v25 =	vld.idx.msk [tilespmem:v27+s22+$0x0], $0xffff;
	v13 =	vimm.f32 $0.0e+00;
	v18 =	vor.u32 s0, v2;
	v16 =	vmul.f32 v15, v16  }
0xba: {  	v30 =	vsub.f32 $1.500000000e+00, v26;
	v31 =	vmul.f32 v22, v22;
	v32 =	vmul.f32 v20, v20  }
0xbb: {  	v20 =	vld.idx.msk [tilespmem:v21+s23+$0x0], $0xffff;
	v21 =	vor.u32 s0, v3;
	v26 =	vadd.s32 s0, v11;
	v24 =	vsub.f32 $1.500000000e+00, v16  }
0xbc: {  	s31 =	simm.s32 $0x5;
	v22 =	vld.idx.msk [tilespmem:v27+s23+$0x0], $0xffff;
	v28 =	vmul.f32 v19, v17;
	v27 =	vadd.f32 v32, v31;
	v16 =	vmul.f32 v30, v29  }
.LBB2_5:
0xbd: {  	p0 =	sne.s32 s31, $0x3F;
	v29 =	vmul.f32 v23, v17;
	v30 =	vmul.f32 v15, v24;
	s0 =	smov.u32 s31;
	s31 =	sadd.s32 $0x1, s31  }
0xbe: {  	v15 =	vmul.f32 v23, v25;
	v23 =	vmul.f32 v19, v25;
	v24 =	vmax.f32 v27, $1.000000000e-30  }
0xbf: {  	v17 =	vld.idx.msk [tilespmem:v18+s22+$0x0], $0xffff;
	v25 =	vshra.s32 v24, $0x1;
	v27 =	vmul.f32 v30, v14;
	v14 =	vmul.f32 $5.000000000e-01, v24  }
0xc0: {  	v28 =	vsub.f32 v28, v15;
	v29 =	vadd.f32 v29, v23;
	v19 =	vld.idx.msk [tilespmem:v26+s14+$0x0], $0xffff;
	v15 =	vsub.s32 $0x5F3759DF, v25  }
0xc1: {  	v23 =	vld.idx.msk [tilespmem:v26+s16+$0x0], $0xffff;
	v26 =	vmul.f32 v15, v14;
	v27 =	vmul.f32 v27, v30  }
.Ltmp1:
0xc2: {  	v16 =	vmul.f32 v16, v10;
	v28 =	vsub.f32 v28, v20;
	v29 =	vsub.f32 v29, v22;
	v25 =	vld.idx.msk [tilespmem:v21+s22+$0x0], $0xffff;
	(pc) =	sbr.rel @p0 .LBB2_5-.Ltmp1, $4  }
0xc3: {  	v10 =	vmovc v12;
	v12 =	vmovc v24;
	v20 =	vld.idx.msk [tilespmem:v18+s23+$0x0], $0xffff;
	v18 =	vor.u32 s0, v2;
	v31 =	vmul.f32 v15, v26;
	v32 =	vsub.f32 $1.500000000e+00, v27  }
0xc4: {  	v13 =	vadd.f32 v16, v13;
	v27 =	vmul.f32 v28, v28;
	v29 =	vmul.f32 v29, v29;
	v22 =	vld.idx.msk [tilespmem:v21+s23+$0x0], $0xffff  }
0xc5: {  	v26 =	vadd.s32 s0, v11;
	v21 =	vor.u32 s0, v3;
	v24 =	vsub.f32 $1.500000000e+00, v31  }
0xc6: {  	v28 =	vmul.f32 v19, v17;
	v27 =	vadd.f32 v29, v27;
	v16 =	vmul.f32 v32, v30  }
0xc7: {  	_ =	sdelay $0x3  }
0xc8: {  	v11 =	vld.idx.msk [tilespmem:v18+s22+$0x0], $0xffff  }
0xc9: {  	v29 =	vld.idx.msk [tilespmem:v26+s14+$0x0], $0xffff  }
0xca: {  	v26 =	vld.idx.msk [tilespmem:v26+s16+$0x0], $0xffff  }
0xcb: {  	v30 =	vld.idx.msk [tilespmem:v21+s22+$0x0], $0xffff  }
0xcc: {  	v31 =	vmul.f32 v23, v25  }
0xcd: {  	v17 =	vmul.f32 v23, v17;
	v19 =	vmul.f32 v19, v25  }
0xce: {  	v18 =	vld.idx.msk [tilespmem:v18+s23+$0x0], $0xffff;
	v23 =	vsub.f32 v28, v31  }
0xcf: {  	v17 =	vadd.f32 v17, v19;
	v19 =	vld.idx.msk [tilespmem:v21+s23+$0x0], $0xffff;
	v21 =	vmul.f32 v29, v11;
	v11 =	vmul.f32 v26, v11  }
0xd0: {  	v25 =	vmul.f32 v26, v30;
	v26 =	vmul.f32 v29, v30  }
0xd1: {  	v20 =	vsub.f32 v23, v20;
	v17 =	vsub.f32 v17, v22  }
0xd2: {  	v21 =	vsub.f32 v21, v25;
	v11 =	vadd.f32 v11, v26  }
0xd3: {  	v20 =	vmul.f32 v20, v20;
	v17 =	vmul.f32 v17, v17  }
0xd4: {  	v22 =	vmax.f32 v27, $1.000000000e-30;
	v18 =	vsub.f32 v21, v18;
	v11 =	vsub.f32 v11, v19  }
0xd5: {  	v17 =	vadd.f32 v17, v20;
	v21 =	vmul.f32 $5.000000000e-01, v22  }
0xd6: {  	v19 =	vshra.s32 v22, $0x1;
	v18 =	vmul.f32 v18, v18;
	v11 =	vmul.f32 v11, v11  }
0xd7: {  	v19 =	vsub.s32 $0x5F3759DF, v19  }
0xd8: {  	v17 =	vmax.f32 v17, $1.000000000e-30;
	v20 =	vmul.f32 v19, v21;
	v11 =	vadd.f32 v11, v18  }
0xd9: {  	v23 =	vmul.f32 $5.000000000e-01, v17;
	v18 =	vshra.s32 v17, $0x1  }
0xda: {  	v20 =	vmul.f32 v19, v20;
	v18 =	vsub.s32 $0x5F3759DF, v18;
	v11 =	vmax.f32 v11, $1.000000000e-30  }
0xdb: {  	v25 =	vmul.f32 v18, v23;
	v26 =	vshra.s32 v11, $0x1;
	v27 =	vmul.f32 $5.000000000e-01, v11  }
0xdc: {  	v15 =	vmul.f32 v15, v24;
	v20 =	vsub.f32 $1.500000000e+00, v20;
	v24 =	vsub.s32 $0x5F3759DF, v26  }
0xdd: {  	v25 =	vmul.f32 v18, v25;
	v26 =	vmul.f32 v24, v27  }
0xde: {  	v14 =	vmul.f32 v15, v14;
	v19 =	vmul.f32 v19, v20  }
0xdf: {  	v20 =	vsub.f32 $1.500000000e+00, v25;
	v25 =	vmul.f32 v24, v26  }
0xe0: {  	v14 =	vmul.f32 v14, v15;
	v21 =	vmul.f32 v19, v21  }
0xe1: {  	v18 =	vmul.f32 v18, v20;
	v20 =	vsub.f32 $1.500000000e+00, v25  }
0xe2: {  	v14 =	vsub.f32 $1.500000000e+00, v14;
	v21 =	vmul.f32 v21, v19  }
0xe3: {  	v23 =	vmul.f32 v18, v23;
	v20 =	vmul.f32 v24, v20  }
0xe4: {  	v10 =	vmul.f32 v16, v10;
	v14 =	vmul.f32 v14, v15  }
0xe5: {  	v15 =	vsub.f32 $1.500000000e+00, v21;
	v16 =	vmul.f32 v23, v18;
	v21 =	vmul.f32 v20, v27  }
0xe6: {  	v10 =	vadd.f32 v10, v13;
	v12 =	vmul.f32 v14, v12  }
0xe7: {  	v13 =	vmul.f32 v15, v19;
	v14 =	vsub.f32 $1.500000000e+00, v16;
	v15 =	vmul.f32 v21, v20  }
0xe8: {  	v10 =	vadd.f32 v12, v10  }
0xe9: {  	v12 =	vmul.f32 v13, v22;
	v13 =	vmul.f32 v14, v18;
	v14 =	vsub.f32 $1.500000000e+00, v15;
	_ =	sdelay $0x1  }
0xea: {  	v10 =	vadd.f32 v12, v10;
	v12 =	vmul.f32 v13, v17;
	v13 =	vmul.f32 v14, v20  }
0xeb: {  	v14 =	vld [tilespmem:$0x120]  }
0xec: {  	v10 =	vadd.f32 v12, v10;
	v11 =	vmul.f32 v13, v11;
	_ =	sdelay $0x1  }
0xed: {  	v10 =	vadd.f32 v11, v10  }
0xee: {  	s0 =	simm.s32 $0x0  }
0xef: {  	v12 =	vor.u32 s0, v4;
	v11 =	vshll.u32 v14, $0x7;
	v10 =	vmul.f32 v10, v8  }
0xf0: {  	v13 =	vadd.s32 s0, v11  }
0xf1: {  	v10 =	vadd.f32 v10, v9  }
0xf2: {  	v14 =	vor.u32 s0, v5  }
0xf3: {  	[tilespmem:$0x9290] =	vst v10  }
0xf4: {  	v10 =	vld.idx.msk [tilespmem:v12+s22+$0x0], $0xffff  }
0xf5: {  	v15 =	vld.idx.msk [tilespmem:v13+s14+$0x0], $0xffff  }
0xf6: {  	v13 =	vld.idx.msk [tilespmem:v13+s16+$0x0], $0xffff  }
0xf7: {  	v16 =	vld.idx.msk [tilespmem:v14+s22+$0x0], $0xffff  }
0xf8: {  	s0 =	simm.s32 $0x1  }
0xf9: {  	v17 =	vor.u32 s0, v4  }
0xfa: {  	v18 =	vadd.s32 s0, v11;
	v12 =	vld.idx.msk [tilespmem:v12+s23+$0x0], $0xffff  }
0xfb: {  	v14 =	vld.idx.msk [tilespmem:v14+s23+$0x0], $0xffff;
	v19 =	vmul.f32 v15, v10;
	v10 =	vmul.f32 v13, v10  }
0xfc: {  	v20 =	vor.u32 s0, v5;
	v13 =	vmul.f32 v13, v16;
	v15 =	vmul.f32 v15, v16;
	_ =	sdelay $0x1  }
0xfd: {  	v16 =	vld.idx.msk [tilespmem:v17+s22+$0x0], $0xffff;
	v13 =	vsub.f32 v19, v13;
	v10 =	vadd.f32 v10, v15  }
0xfe: {  	v15 =	vld.idx.msk [tilespmem:v18+s14+$0x0], $0xffff  }
0xff: {  	v18 =	vld.idx.msk [tilespmem:v18+s16+$0x0], $0xffff;
	v12 =	vsub.f32 v13, v12;
	v10 =	vsub.f32 v10, v14  }
0x100: {  	v13 =	vld.idx.msk [tilespmem:v20+s22+$0x0], $0xffff  }
0x101: {  	s0 =	simm.s32 $0x2;
	v12 =	vmul.f32 v12, v12;
	v10 =	vmul.f32 v10, v10  }
0x102: {  	v14 =	vor.u32 s0, v4  }
0x103: {  	v17 =	vld.idx.msk [tilespmem:v17+s23+$0x0], $0xffff;
	v19 =	vadd.s32 s0, v11;
	v10 =	vadd.f32 v10, v12  }
0x104: {  	v21 =	vmul.f32 v15, v16;
	v16 =	vmul.f32 v18, v16;
	v12 =	vld.idx.msk [tilespmem:v20+s23+$0x0], $0xffff;
	v20 =	vor.u32 s0, v5  }
0x105: {  	v18 =	vmul.f32 v18, v13;
	v13 =	vmul.f32 v15, v13;
	v10 =	vmax.f32 v10, $1.000000000e-30  }
0x106: {  	v15 =	vshra.s32 v10, $0x1;
	v22 =	vmul.f32 $5.000000000e-01, v10  }
0x107: {  	v23 =	vld.idx.msk [tilespmem:v14+s22+$0x0], $0xffff;
	v18 =	vsub.f32 v21, v18;
	v13 =	vadd.f32 v16, v13;
	v15 =	vsub.s32 $0x5F3759DF, v15  }
0x108: {  	v16 =	vld.idx.msk [tilespmem:v19+s14+$0x0], $0xffff;
	v21 =	vmul.f32 v15, v22  }
0x109: {  	v19 =	vld.idx.msk [tilespmem:v19+s16+$0x0], $0xffff;
	v17 =	vsub.f32 v18, v17;
	v12 =	vsub.f32 v13, v12  }
0x10a: {  	v13 =	vld.idx.msk [tilespmem:v20+s22+$0x0], $0xffff;
	v18 =	vmul.f32 v15, v21  }
0x10b: {  	s0 =	simm.s32 $0x3;
	v17 =	vmul.f32 v17, v17;
	v12 =	vmul.f32 v12, v12  }
0x10c: {  	v25 =	vadd.s32 s0, v11;
	v18 =	vsub.f32 $1.500000000e+00, v18  }
0x10d: {  	v24 =	vld.idx.msk [tilespmem:v14+s23+$0x0], $0xffff;
	v21 =	vor.u32 s0, v4;
	v26 =	vmul.f32 v16, v23;
	v12 =	vadd.f32 v12, v17  }
0x10e: {  	v27 =	vor.u32 s0, v5;
	v20 =	vld.idx.msk [tilespmem:v20+s23+$0x0], $0xffff;
	v23 =	vmul.f32 v19, v23;
	v29 =	vmul.f32 v15, v18  }
0x10f: {  	v15 =	vmul.f32 v19, v13;
	v13 =	vmul.f32 v16, v13;
	v12 =	vmax.f32 v12, $1.000000000e-30  }
0x110: {  	v16 =	vshra.s32 v12, $0x1;
	v14 =	vmul.f32 $5.000000000e-01, v12;
	v18 =	vmul.f32 v29, v22  }
0x111: {  	v19 =	vld.idx.msk [tilespmem:v25+s14+$0x0], $0xffff;
	v22 =	vsub.f32 v26, v15;
	v13 =	vadd.f32 v23, v13;
	v15 =	vsub.s32 $0x5F3759DF, v16  }
0x112: {  	v17 =	vld.idx.msk [tilespmem:v21+s22+$0x0], $0xffff;
	v16 =	vmul.f32 v15, v14  }
0x113: {  	s0 =	simm.s32 $0x4;
	v23 =	vld.idx.msk [tilespmem:v25+s16+$0x0], $0xffff;
	v26 =	vmul.f32 v18, v29;
	v22 =	vsub.f32 v22, v24;
	v20 =	vsub.f32 v13, v20  }
0x114: {  	v25 =	vld.idx.msk [tilespmem:v27+s22+$0x0], $0xffff;
	v13 =	vimm.f32 $0.0e+00;
	v18 =	vor.u32 s0, v4;
	v16 =	vmul.f32 v15, v16  }
0x115: {  	v30 =	vsub.f32 $1.500000000e+00, v26;
	v31 =	vmul.f32 v22, v22;
	v32 =	vmul.f32 v20, v20  }
0x116: {  	v20 =	vld.idx.msk [tilespmem:v21+s23+$0x0], $0xffff;
	v21 =	vor.u32 s0, v5;
	v26 =	vadd.s32 s0, v11;
	v24 =	vsub.f32 $1.500000000e+00, v16  }
0x117: {  	s31 =	simm.s32 $0x5;
	v22 =	vld.idx.msk [tilespmem:v27+s23+$0x0], $0xffff;
	v28 =	vmul.f32 v19, v17;
	v27 =	vadd.f32 v32, v31;
	v16 =	vmul.f32 v30, v29  }
.LBB2_7:
0x118: {  	p0 =	sne.s32 s31, $0x3F;
	v29 =	vmul.f32 v23, v17;
	v30 =	vmul.f32 v15, v24;
	s0 =	smov.u32 s31;
	s31 =	sadd.s32 $0x1, s31  }
0x119: {  	v15 =	vmul.f32 v23, v25;
	v23 =	vmul.f32 v19, v25;
	v24 =	vmax.f32 v27, $1.000000000e-30  }
0x11a: {  	v17 =	vld.idx.msk [tilespmem:v18+s22+$0x0], $0xffff;
	v25 =	vshra.s32 v24, $0x1;
	v27 =	vmul.f32 v30, v14;
	v14 =	vmul.f32 $5.000000000e-01, v24  }
0x11b: {  	v28 =	vsub.f32 v28, v15;
	v29 =	vadd.f32 v29, v23;
	v19 =	vld.idx.msk [tilespmem:v26+s14+$0x0], $0xffff;
	v15 =	vsub.s32 $0x5F3759DF, v25  }
0x11c: {  	v23 =	vld.idx.msk [tilespmem:v26+s16+$0x0], $0xffff;
	v26 =	vmul.f32 v15, v14;
	v27 =	vmul.f32 v27, v30  }
.Ltmp2:
0x11d: {  	v16 =	vmul.f32 v16, v10;
	v28 =	vsub.f32 v28, v20;
	v29 =	vsub.f32 v29, v22;
	v25 =	vld.idx.msk [tilespmem:v21+s22+$0x0], $0xffff;
	(pc) =	sbr.rel @p0 .LBB2_7-.Ltmp2, $4  }
0x11e: {  	v10 =	vmovc v12;
	v12 =	vmovc v24;
	v20 =	vld.idx.msk [tilespmem:v18+s23+$0x0], $0xffff;
	v18 =	vor.u32 s0, v4;
	v31 =	vmul.f32 v15, v26;
	v32 =	vsub.f32 $1.500000000e+00, v27  }
0x11f: {  	v13 =	vadd.f32 v16, v13;
	v27 =	vmul.f32 v28, v28;
	v29 =	vmul.f32 v29, v29;
	v22 =	vld.idx.msk [tilespmem:v21+s23+$0x0], $0xffff  }
0x120: {  	v26 =	vadd.s32 s0, v11;
	v21 =	vor.u32 s0, v5;
	v24 =	vsub.f32 $1.500000000e+00, v31  }
0x121: {  	v28 =	vmul.f32 v19, v17;
	v27 =	vadd.f32 v29, v27;
	v16 =	vmul.f32 v32, v30  }
0x122: {  	_ =	sdelay $0x3  }
0x123: {  	v11 =	vld.idx.msk [tilespmem:v18+s22+$0x0], $0xffff  }
0x124: {  	v29 =	vld.idx.msk [tilespmem:v26+s14+$0x0], $0xffff  }
0x125: {  	v26 =	vld.idx.msk [tilespmem:v26+s16+$0x0], $0xffff  }
0x126: {  	v30 =	vld.idx.msk [tilespmem:v21+s22+$0x0], $0xffff  }
0x127: {  	v31 =	vmul.f32 v23, v25  }
0x128: {  	v17 =	vmul.f32 v23, v17;
	v19 =	vmul.f32 v19, v25  }
0x129: {  	v18 =	vld.idx.msk [tilespmem:v18+s23+$0x0], $0xffff;
	v23 =	vsub.f32 v28, v31  }
0x12a: {  	v17 =	vadd.f32 v17, v19;
	v19 =	vld.idx.msk [tilespmem:v21+s23+$0x0], $0xffff;
	v21 =	vmul.f32 v29, v11;
	v11 =	vmul.f32 v26, v11  }
0x12b: {  	v25 =	vmul.f32 v26, v30;
	v26 =	vmul.f32 v29, v30  }
0x12c: {  	v20 =	vsub.f32 v23, v20;
	v17 =	vsub.f32 v17, v22  }
0x12d: {  	v21 =	vsub.f32 v21, v25;
	v11 =	vadd.f32 v11, v26  }
0x12e: {  	v20 =	vmul.f32 v20, v20;
	v17 =	vmul.f32 v17, v17  }
0x12f: {  	v22 =	vmax.f32 v27, $1.000000000e-30;
	v18 =	vsub.f32 v21, v18;
	v11 =	vsub.f32 v11, v19  }
0x130: {  	v17 =	vadd.f32 v17, v20;
	v21 =	vmul.f32 $5.000000000e-01, v22  }
0x131: {  	v19 =	vshra.s32 v22, $0x1;
	v18 =	vmul.f32 v18, v18;
	v11 =	vmul.f32 v11, v11  }
0x132: {  	v19 =	vsub.s32 $0x5F3759DF, v19  }
0x133: {  	v17 =	vmax.f32 v17, $1.000000000e-30;
	v20 =	vmul.f32 v19, v21;
	v11 =	vadd.f32 v11, v18  }
0x134: {  	v23 =	vmul.f32 $5.000000000e-01, v17;
	v18 =	vshra.s32 v17, $0x1  }
0x135: {  	v20 =	vmul.f32 v19, v20;
	v18 =	vsub.s32 $0x5F3759DF, v18;
	v11 =	vmax.f32 v11, $1.000000000e-30  }
0x136: {  	v25 =	vmul.f32 v18, v23;
	v26 =	vshra.s32 v11, $0x1;
	v27 =	vmul.f32 $5.000000000e-01, v11  }
0x137: {  	v15 =	vmul.f32 v15, v24;
	v20 =	vsub.f32 $1.500000000e+00, v20;
	v24 =	vsub.s32 $0x5F3759DF, v26  }
0x138: {  	v25 =	vmul.f32 v18, v25;
	v26 =	vmul.f32 v24, v27  }
0x139: {  	v14 =	vmul.f32 v15, v14;
	v19 =	vmul.f32 v19, v20  }
0x13a: {  	v20 =	vsub.f32 $1.500000000e+00, v25;
	v25 =	vmul.f32 v24, v26  }
0x13b: {  	v14 =	vmul.f32 v14, v15;
	v21 =	vmul.f32 v19, v21  }
0x13c: {  	v18 =	vmul.f32 v18, v20;
	v20 =	vsub.f32 $1.500000000e+00, v25  }
0x13d: {  	v14 =	vsub.f32 $1.500000000e+00, v14;
	v21 =	vmul.f32 v21, v19  }
0x13e: {  	v23 =	vmul.f32 v18, v23;
	v20 =	vmul.f32 v24, v20  }
0x13f: {  	v10 =	vmul.f32 v16, v10;
	v14 =	vmul.f32 v14, v15  }
0x140: {  	v15 =	vsub.f32 $1.500000000e+00, v21;
	v16 =	vmul.f32 v23, v18;
	v21 =	vmul.f32 v20, v27  }
0x141: {  	v10 =	vadd.f32 v10, v13;
	v12 =	vmul.f32 v14, v12  }
0x142: {  	v13 =	vmul.f32 v15, v19;
	v14 =	vsub.f32 $1.500000000e+00, v16;
	v15 =	vmul.f32 v21, v20  }
0x143: {  	v10 =	vadd.f32 v12, v10  }
0x144: {  	v12 =	vmul.f32 v13, v22;
	v13 =	vmul.f32 v14, v18;
	v14 =	vsub.f32 $1.500000000e+00, v15;
	_ =	sdelay $0x1  }
0x145: {  	v10 =	vadd.f32 v12, v10;
	v12 =	vmul.f32 v13, v17;
	v13 =	vmul.f32 v14, v20  }
0x146: {  	v14 =	vld [tilespmem:$0x130]  }
0x147: {  	v10 =	vadd.f32 v12, v10;
	v11 =	vmul.f32 v13, v11;
	_ =	sdelay $0x1  }
0x148: {  	v10 =	vadd.f32 v11, v10  }
0x149: {  	s0 =	simm.s32 $0x0  }
0x14a: {  	v12 =	vor.u32 s0, v6;
	v11 =	vshll.u32 v14, $0x7;
	v10 =	vmul.f32 v10, v8  }
0x14b: {  	v13 =	vadd.s32 s0, v11  }
0x14c: {  	v10 =	vadd.f32 v10, v9  }
0x14d: {  	v14 =	vor.u32 s0, v7  }
0x14e: {  	[tilespmem:$0x92A0] =	vst v10  }
0x14f: {  	v10 =	vld.idx.msk [tilespmem:v12+s22+$0x0], $0xffff  }
0x150: {  	v15 =	vld.idx.msk [tilespmem:v13+s14+$0x0], $0xffff  }
0x151: {  	v13 =	vld.idx.msk [tilespmem:v13+s16+$0x0], $0xffff  }
0x152: {  	v16 =	vld.idx.msk [tilespmem:v14+s22+$0x0], $0xffff  }
0x153: {  	s0 =	simm.s32 $0x1  }
0x154: {  	v17 =	vor.u32 s0, v6  }
0x155: {  	v18 =	vadd.s32 s0, v11;
	v12 =	vld.idx.msk [tilespmem:v12+s23+$0x0], $0xffff  }
0x156: {  	v14 =	vld.idx.msk [tilespmem:v14+s23+$0x0], $0xffff;
	v19 =	vmul.f32 v15, v10;
	v10 =	vmul.f32 v13, v10  }
0x157: {  	v20 =	vor.u32 s0, v7;
	v13 =	vmul.f32 v13, v16;
	v15 =	vmul.f32 v15, v16;
	_ =	sdelay $0x1  }
0x158: {  	v16 =	vld.idx.msk [tilespmem:v17+s22+$0x0], $0xffff;
	v13 =	vsub.f32 v19, v13;
	v10 =	vadd.f32 v10, v15  }
0x159: {  	v15 =	vld.idx.msk [tilespmem:v18+s14+$0x0], $0xffff  }
0x15a: {  	v18 =	vld.idx.msk [tilespmem:v18+s16+$0x0], $0xffff;
	v12 =	vsub.f32 v13, v12;
	v10 =	vsub.f32 v10, v14  }
0x15b: {  	v13 =	vld.idx.msk [tilespmem:v20+s22+$0x0], $0xffff  }
0x15c: {  	s0 =	simm.s32 $0x2;
	v12 =	vmul.f32 v12, v12;
	v10 =	vmul.f32 v10, v10  }
0x15d: {  	v14 =	vor.u32 s0, v6  }
0x15e: {  	v17 =	vld.idx.msk [tilespmem:v17+s23+$0x0], $0xffff;
	v19 =	vadd.s32 s0, v11;
	v10 =	vadd.f32 v10, v12  }
0x15f: {  	v21 =	vmul.f32 v15, v16;
	v16 =	vmul.f32 v18, v16;
	v12 =	vld.idx.msk [tilespmem:v20+s23+$0x0], $0xffff;
	v20 =	vor.u32 s0, v7  }
0x160: {  	v18 =	vmul.f32 v18, v13;
	v13 =	vmul.f32 v15, v13;
	v10 =	vmax.f32 v10, $1.000000000e-30  }
0x161: {  	v15 =	vshra.s32 v10, $0x1;
	v22 =	vmul.f32 $5.000000000e-01, v10  }
0x162: {  	v23 =	vld.idx.msk [tilespmem:v14+s22+$0x0], $0xffff;
	v18 =	vsub.f32 v21, v18;
	v13 =	vadd.f32 v16, v13;
	v15 =	vsub.s32 $0x5F3759DF, v15  }
0x163: {  	v16 =	vld.idx.msk [tilespmem:v19+s14+$0x0], $0xffff;
	v21 =	vmul.f32 v15, v22  }
0x164: {  	v19 =	vld.idx.msk [tilespmem:v19+s16+$0x0], $0xffff;
	v17 =	vsub.f32 v18, v17;
	v12 =	vsub.f32 v13, v12  }
0x165: {  	v13 =	vld.idx.msk [tilespmem:v20+s22+$0x0], $0xffff;
	v18 =	vmul.f32 v15, v21  }
0x166: {  	s0 =	simm.s32 $0x3;
	v17 =	vmul.f32 v17, v17;
	v12 =	vmul.f32 v12, v12  }
0x167: {  	v25 =	vadd.s32 s0, v11;
	v18 =	vsub.f32 $1.500000000e+00, v18  }
0x168: {  	v24 =	vld.idx.msk [tilespmem:v14+s23+$0x0], $0xffff;
	v21 =	vor.u32 s0, v6;
	v26 =	vmul.f32 v16, v23;
	v12 =	vadd.f32 v12, v17  }
0x169: {  	v27 =	vor.u32 s0, v7;
	v20 =	vld.idx.msk [tilespmem:v20+s23+$0x0], $0xffff;
	v23 =	vmul.f32 v19, v23;
	v29 =	vmul.f32 v15, v18  }
0x16a: {  	v15 =	vmul.f32 v19, v13;
	v13 =	vmul.f32 v16, v13;
	v12 =	vmax.f32 v12, $1.000000000e-30  }
0x16b: {  	v16 =	vshra.s32 v12, $0x1;
	v14 =	vmul.f32 $5.000000000e-01, v12;
	v18 =	vmul.f32 v29, v22  }
0x16c: {  	v19 =	vld.idx.msk [tilespmem:v25+s14+$0x0], $0xffff;
	v22 =	vsub.f32 v26, v15;
	v13 =	vadd.f32 v23, v13;
	v15 =	vsub.s32 $0x5F3759DF, v16  }
0x16d: {  	v17 =	vld.idx.msk [tilespmem:v21+s22+$0x0], $0xffff;
	v16 =	vmul.f32 v15, v14  }
0x16e: {  	s0 =	simm.s32 $0x4;
	v23 =	vld.idx.msk [tilespmem:v25+s16+$0x0], $0xffff;
	v26 =	vmul.f32 v18, v29;
	v22 =	vsub.f32 v22, v24;
	v20 =	vsub.f32 v13, v20  }
0x16f: {  	v25 =	vld.idx.msk [tilespmem:v27+s22+$0x0], $0xffff;
	v13 =	vimm.f32 $0.0e+00;
	v18 =	vor.u32 s0, v6;
	v16 =	vmul.f32 v15, v16  }
0x170: {  	v30 =	vsub.f32 $1.500000000e+00, v26;
	v31 =	vmul.f32 v22, v22;
	v32 =	vmul.f32 v20, v20  }
0x171: {  	v20 =	vld.idx.msk [tilespmem:v21+s23+$0x0], $0xffff;
	v21 =	vor.u32 s0, v7;
	v26 =	vadd.s32 s0, v11;
	v24 =	vsub.f32 $1.500000000e+00, v16  }
0x172: {  	s31 =	simm.s32 $0x5;
	v22 =	vld.idx.msk [tilespmem:v27+s23+$0x0], $0xffff;
	v28 =	vmul.f32 v19, v17;
	v27 =	vadd.f32 v32, v31;
	v16 =	vmul.f32 v30, v29  }
.LBB2_9:
0x173: {  	p0 =	sne.s32 s31, $0x3F;
	v29 =	vmul.f32 v23, v17;
	v30 =	vmul.f32 v15, v24;
	s0 =	smov.u32 s31;
	s31 =	sadd.s32 $0x1, s31  }
0x174: {  	v15 =	vmul.f32 v23, v25;
	v23 =	vmul.f32 v19, v25;
	v24 =	vmax.f32 v27, $1.000000000e-30  }
0x175: {  	v17 =	vld.idx.msk [tilespmem:v18+s22+$0x0], $0xffff;
	v25 =	vshra.s32 v24, $0x1;
	v27 =	vmul.f32 v30, v14;
	v14 =	vmul.f32 $5.000000000e-01, v24  }
0x176: {  	v28 =	vsub.f32 v28, v15;
	v29 =	vadd.f32 v29, v23;
	v19 =	vld.idx.msk [tilespmem:v26+s14+$0x0], $0xffff;
	v15 =	vsub.s32 $0x5F3759DF, v25  }
0x177: {  	v23 =	vld.idx.msk [tilespmem:v26+s16+$0x0], $0xffff;
	v26 =	vmul.f32 v15, v14;
	v27 =	vmul.f32 v27, v30  }
.Ltmp3:
0x178: {  	v16 =	vmul.f32 v16, v10;
	v28 =	vsub.f32 v28, v20;
	v29 =	vsub.f32 v29, v22;
	v25 =	vld.idx.msk [tilespmem:v21+s22+$0x0], $0xffff;
	(pc) =	sbr.rel @p0 .LBB2_9-.Ltmp3, $4  }
0x179: {  	v10 =	vmovc v12;
	v12 =	vmovc v24;
	v20 =	vld.idx.msk [tilespmem:v18+s23+$0x0], $0xffff;
	v18 =	vor.u32 s0, v6;
	v31 =	vmul.f32 v15, v26;
	v32 =	vsub.f32 $1.500000000e+00, v27  }
0x17a: {  	v13 =	vadd.f32 v16, v13;
	v27 =	vmul.f32 v28, v28;
	v29 =	vmul.f32 v29, v29;
	v22 =	vld.idx.msk [tilespmem:v21+s23+$0x0], $0xffff  }
0x17b: {  	v26 =	vadd.s32 s0, v11;
	v21 =	vor.u32 s0, v7;
	v24 =	vsub.f32 $1.500000000e+00, v31  }
0x17c: {  	v28 =	vmul.f32 v19, v17;
	v27 =	vadd.f32 v29, v27;
	v16 =	vmul.f32 v32, v30  }
0x17d: {  	_ =	sdelay $0x3  }
0x17e: {  	v11 =	vld.idx.msk [tilespmem:v18+s22+$0x0], $0xffff  }
0x17f: {  	v29 =	vld.idx.msk [tilespmem:v26+s14+$0x0], $0xffff  }
0x180: {  	v26 =	vld.idx.msk [tilespmem:v26+s16+$0x0], $0xffff  }
0x181: {  	v30 =	vld.idx.msk [tilespmem:v21+s22+$0x0], $0xffff  }
0x182: {  	v31 =	vmul.f32 v23, v25  }
0x183: {  	v17 =	vmul.f32 v23, v17;
	v19 =	vmul.f32 v19, v25  }
0x184: {  	v18 =	vld.idx.msk [tilespmem:v18+s23+$0x0], $0xffff;
	v23 =	vsub.f32 v28, v31  }
0x185: {  	v17 =	vadd.f32 v17, v19;
	v19 =	vld.idx.msk [tilespmem:v21+s23+$0x0], $0xffff;
	v21 =	vmul.f32 v29, v11;
	v11 =	vmul.f32 v26, v11  }
0x186: {  	v25 =	vmul.f32 v26, v30;
	v26 =	vmul.f32 v29, v30  }
0x187: {  	v20 =	vsub.f32 v23, v20;
	v17 =	vsub.f32 v17, v22  }
0x188: {  	v21 =	vsub.f32 v21, v25;
	v11 =	vadd.f32 v11, v26  }
0x189: {  	v20 =	vmul.f32 v20, v20;
	v17 =	vmul.f32 v17, v17  }
0x18a: {  	v22 =	vmax.f32 v27, $1.000000000e-30;
	v18 =	vsub.f32 v21, v18;
	v11 =	vsub.f32 v11, v19  }
0x18b: {  	v17 =	vadd.f32 v17, v20;
	v21 =	vmul.f32 $5.000000000e-01, v22  }
0x18c: {  	v19 =	vshra.s32 v22, $0x1;
	v18 =	vmul.f32 v18, v18;
	v11 =	vmul.f32 v11, v11  }
0x18d: {  	v19 =	vsub.s32 $0x5F3759DF, v19  }
0x18e: {  	v17 =	vmax.f32 v17, $1.000000000e-30;
	v20 =	vmul.f32 v19, v21;
	v11 =	vadd.f32 v11, v18  }
0x18f: {  	v23 =	vmul.f32 $5.000000000e-01, v17;
	v18 =	vshra.s32 v17, $0x1  }
0x190: {  	v20 =	vmul.f32 v19, v20;
	v18 =	vsub.s32 $0x5F3759DF, v18;
	v11 =	vmax.f32 v11, $1.000000000e-30  }
0x191: {  	v25 =	vmul.f32 v18, v23;
	v26 =	vshra.s32 v11, $0x1;
	v27 =	vmul.f32 $5.000000000e-01, v11  }
0x192: {  	v15 =	vmul.f32 v15, v24;
	v20 =	vsub.f32 $1.500000000e+00, v20;
	v24 =	vsub.s32 $0x5F3759DF, v26  }
0x193: {  	v25 =	vmul.f32 v18, v25;
	v26 =	vmul.f32 v24, v27  }
0x194: {  	v14 =	vmul.f32 v15, v14;
	v19 =	vmul.f32 v19, v20  }
0x195: {  	v20 =	vsub.f32 $1.500000000e+00, v25;
	v25 =	vmul.f32 v24, v26  }
0x196: {  	v14 =	vmul.f32 v14, v15;
	v21 =	vmul.f32 v19, v21  }
0x197: {  	v18 =	vmul.f32 v18, v20;
	v20 =	vsub.f32 $1.500000000e+00, v25  }
0x198: {  	v14 =	vsub.f32 $1.500000000e+00, v14;
	v21 =	vmul.f32 v21, v19  }
0x199: {  	v23 =	vmul.f32 v18, v23;
	v20 =	vmul.f32 v24, v20  }
0x19a: {  	v10 =	vmul.f32 v16, v10;
	v14 =	vmul.f32 v14, v15  }
0x19b: {  	v15 =	vsub.f32 $1.500000000e+00, v21;
	v16 =	vmul.f32 v23, v18;
	v21 =	vmul.f32 v20, v27  }
0x19c: {  	v10 =	vadd.f32 v10, v13;
	v12 =	vmul.f32 v14, v12  }
0x19d: {  	v13 =	vmul.f32 v15, v19;
	v14 =	vsub.f32 $1.500000000e+00, v16;
	v15 =	vmul.f32 v21, v20  }
0x19e: {  	v10 =	vadd.f32 v12, v10  }
0x19f: {  	v12 =	vmul.f32 v13, v22;
	v13 =	vmul.f32 v14, v18;
	v14 =	vsub.f32 $1.500000000e+00, v15;
	_ =	sdelay $0x1  }
0x1a0: {  	v10 =	vadd.f32 v12, v10;
	v12 =	vmul.f32 v13, v17;
	v13 =	vmul.f32 v14, v20;
	v14 =	vld [tilespmem:$0x140];
	_ =	sdelay $0x1  }
0x1a1: {  	v10 =	vadd.f32 v12, v10;
	v11 =	vmul.f32 v13, v11;
	_ =	sdelay $0x1  }
0x1a2: {  	v10 =	vadd.f32 v11, v10  }
0x1a3: {  	s0 =	simm.s32 $0x0;
	v11 =	vshll.u32 v14, $0x7  }
0x1a4: {  	v10 =	vmul.f32 v10, v8;
	v12 =	vadd.s32 s0, v11  }
0x1a5: {  	v13 =	vor.u32 $0x2000, v0  }
0x1a6: {  	v15 =	vor.u32 s0, v13;
	v14 =	vor.u32 $0x2040, v0;
	v10 =	vadd.f32 v10, v9  }
0x1a7: {  	v16 =	vor.u32 s0, v14  }
0x1a8: {  	[tilespmem:$0x92B0] =	vst v10  }
0x1a9: {  	v10 =	vld.idx.msk [tilespmem:v12+s14+$0x0], $0xffff  }
0x1aa: {  	v12 =	vld.idx.msk [tilespmem:v12+s16+$0x0], $0xffff  }
0x1ab: {  	v17 =	vld.idx.msk [tilespmem:v15+s22+$0x0], $0xffff  }
0x1ac: {  	v18 =	vld.idx.msk [tilespmem:v16+s22+$0x0], $0xffff;
	_ =	sdelay $0x1  }
0x1ad: {  	s0 =	simm.s32 $0x1  }
0x1ae: {  	v19 =	vadd.s32 s0, v11  }
0x1af: {  	v15 =	vld.idx.msk [tilespmem:v15+s23+$0x0], $0xffff  }
0x1b0: {  	v20 =	vor.u32 s0, v13;
	v16 =	vld.idx.msk [tilespmem:v16+s23+$0x0], $0xffff;
	v21 =	vmul.f32 v10, v17;
	v22 =	vmul.f32 v12, v18  }
0x1b1: {  	v23 =	vor.u32 s0, v14;
	v12 =	vmul.f32 v12, v17;
	v10 =	vmul.f32 v10, v18;
	_ =	sdelay $0x1  }
0x1b2: {  	v17 =	vld.idx.msk [tilespmem:v19+s14+$0x0], $0xffff;
	v18 =	vsub.f32 v21, v22;
	v10 =	vadd.f32 v12, v10  }
0x1b3: {  	v12 =	vld.idx.msk [tilespmem:v19+s16+$0x0], $0xffff  }
0x1b4: {  	v19 =	vld.idx.msk [tilespmem:v20+s22+$0x0], $0xffff;
	v15 =	vsub.f32 v18, v15;
	v10 =	vsub.f32 v10, v16  }
0x1b5: {  	v16 =	vld.idx.msk [tilespmem:v23+s22+$0x0], $0xffff  }
0x1b6: {  	s0 =	simm.s32 $0x2;
	v15 =	vmul.f32 v15, v15;
	v10 =	vmul.f32 v10, v10  }
0x1b7: {  	v18 =	vadd.s32 s0, v11  }
0x1b8: {  	v10 =	vadd.f32 v10, v15  }
0x1b9: {  	v21 =	vor.u32 s0, v13;
	v22 =	vor.u32 s0, v14;
	v15 =	vld.idx.msk [tilespmem:v20+s23+$0x0], $0xffff;
	v20 =	vmul.f32 v17, v19  }
0x1ba: {  	v23 =	vld.idx.msk [tilespmem:v23+s23+$0x0], $0xffff;
	v24 =	vmul.f32 v12, v16;
	v12 =	vmul.f32 v12, v19;
	v10 =	vmax.f32 v10, $1.000000000e-30  }
0x1bb: {  	v16 =	vmul.f32 v17, v16;
	v19 =	vshra.s32 v10, $0x1;
	v29 =	vmul.f32 $5.000000000e-01, v10  }
0x1bc: {  	v17 =	vld.idx.msk [tilespmem:v18+s14+$0x0], $0xffff;
	v25 =	vsub.s32 $0x5F3759DF, v19  }
0x1bd: {  	v28 =	vld.idx.msk [tilespmem:v18+s16+$0x0], $0xffff;
	v18 =	vsub.f32 v20, v24;
	v12 =	vadd.f32 v12, v16;
	v16 =	vmul.f32 v25, v29  }
0x1be: {  	v20 =	vld.idx.msk [tilespmem:v21+s22+$0x0], $0xffff  }
0x1bf: {  	s0 =	simm.s32 $0x3;
	v19 =	vld.idx.msk [tilespmem:v22+s22+$0x0], $0xffff;
	v15 =	vsub.f32 v18, v15;
	v12 =	vsub.f32 v12, v23;
	v16 =	vmul.f32 v25, v16  }
0x1c0: {  	v24 =	vadd.s32 s0, v11  }
0x1c1: {  	v15 =	vmul.f32 v15, v15;
	v23 =	vmul.f32 v12, v12;
	v16 =	vsub.f32 $1.500000000e+00, v16  }
0x1c2: {  	v18 =	vor.u32 s0, v13  }
0x1c3: {  	v12 =	vimm.f32 $0.0e+00;
	v30 =	vadd.f32 v23, v15;
	v15 =	vmul.f32 v25, v16  }
0x1c4: {  	v21 =	vld.idx.msk [tilespmem:v21+s23+$0x0], $0xffff;
	v26 =	vmul.f32 v17, v20;
	v27 =	vmul.f32 v28, v19;
	v25 =	vor.u32 s0, v14  }
0x1c5: {  	s31 =	simm.s32 $0x4;
	v23 =	vld.idx.msk [tilespmem:v22+s23+$0x0], $0xffff;
	v28 =	vmul.f32 v28, v20;
	v16 =	vmax.f32 v30, $1.000000000e-30;
	v22 =	vmovc v25;
	v20 =	vmul.f32 v15, v29  }
.LBB2_11:
0x1c6: {  	p0 =	sne.s32 s31, $0x3F;
	v19 =	vmul.f32 v17, v19;
	v17 =	vld.idx.msk [tilespmem:v24+s14+$0x0], $0xffff;
	v29 =	vshra.s32 v16, $0x1;
	v30 =	vmul.f32 $5.000000000e-01, v16  }
0x1c7: {  	v31 =	vld.idx.msk [tilespmem:v24+s16+$0x0], $0xffff;
	v29 =	vsub.s32 $0x5F3759DF, v29;
	v20 =	vmul.f32 v20, v15  }
0x1c8: {  	v24 =	vsub.f32 v26, v27;
	v32 =	vld.idx.msk [tilespmem:v18+s22+$0x0], $0xffff;
	v26 =	vadd.f32 v28, v19;
	v27 =	vmul.f32 v29, v30  }
0x1c9: {  	v19 =	vld.idx.msk [tilespmem:v25+s22+$0x0], $0xffff;
	v20 =	vsub.f32 $1.500000000e+00, v20  }
0x1ca: {  	v21 =	vsub.f32 v24, v21;
	v23 =	vsub.f32 v26, v23;
	v25 =	vmul.f32 v29, v27  }
0x1cb: {  	v24 =	vadd.s32 s31, v11;
	v15 =	vmul.f32 v20, v15  }
.Ltmp4:
0x1cc: {  	v20 =	vmul.f32 v21, v21;
	v23 =	vmul.f32 v23, v23;
	v26 =	vsub.f32 $1.500000000e+00, v25;
	(pc) =	sbr.rel @p0 .LBB2_11-.Ltmp4, $4  }
0x1cd: {  	v27 =	vor.u32 s31, v13;
	v28 =	vmul.f32 v15, v10;
	v10 =	vmov v16  }
0x1ce: {  	v25 =	vor.u32 s31, v14;
	v21 =	vld.idx.msk [tilespmem:v18+s23+$0x0], $0xffff;
	v16 =	vadd.f32 v23, v20;
	v15 =	vmul.f32 v29, v26;
	v18 =	vmovc v27  }
0x1cf: {  	v26 =	vmul.f32 v17, v32;
	v27 =	vmul.f32 v31, v19;
	v23 =	vld.idx.msk [tilespmem:v22+s23+$0x0], $0xffff;
	v12 =	vadd.f32 v28, v12  }
0x1d0: {  	s31 =	sadd.s32 $0x1, s31;
	v28 =	vmul.f32 v31, v32;
	v22 =	vmovc v25;
	v16 =	vmax.f32 v16, $1.000000000e-30;
	v20 =	vmul.f32 v15, v30  }
0x1d1: {  	_ =	sdelay $0x3  }
0x1d2: {  	v11 =	vld.idx.msk [tilespmem:v24+s14+$0x0], $0xffff  }
0x1d3: {  	v13 =	vld.idx.msk [tilespmem:v24+s16+$0x0], $0xffff  }
0x1d4: {  	v14 =	vld.idx.msk [tilespmem:v18+s22+$0x0], $0xffff  }
0x1d5: {  	v31 =	vld.idx.msk [tilespmem:v25+s22+$0x0], $0xffff;
	_ =	sdelay $0x2  }
0x1d6: {  	v17 =	vmul.f32 v17, v19  }
0x1d7: {  	v32 =	vsub.f32 v26, v27;
	v33 =	vld.idx.msk [tilespmem:v18+s23+$0x0], $0xffff  }
0x1d8: {  	v22 =	vld.idx.msk [tilespmem:v22+s23+$0x0], $0xffff;
	v17 =	vadd.f32 v28, v17;
	v34 =	vmul.f32 v11, v14;
	v35 =	vmul.f32 v13, v31  }
0x1d9: {  	v13 =	vmul.f32 v13, v14;
	v11 =	vmul.f32 v11, v31  }
0x1da: {  	v36 =	vsub.f32 v32, v21;
	v17 =	vsub.f32 v17, v23  }
0x1db: {  	v37 =	vsub.f32 v34, v35;
	v11 =	vadd.f32 v13, v11  }
0x1dc: {  	v38 =	vmul.f32 v36, v36  }
0x1dd: {  	v39 =	vmul.f32 v17, v17;
	v40 =	vsub.f32 v37, v33;
	v11 =	vsub.f32 v11, v22  }
0x1de: {  	v41 =	vshra.s32 v16, $0x1;
	v42 =	vmul.f32 $5.000000000e-01, v16  }
0x1df: {  	v13 =	vadd.f32 v39, v38;
	v43 =	vmul.f32 v40, v40;
	v11 =	vmul.f32 v11, v11  }
0x1e0: {  	v44 =	vsub.s32 $0x5F3759DF, v41  }
0x1e1: {  	v18 =	vmul.f32 v44, v42;
	v13 =	vmax.f32 v13, $1.000000000e-30;
	v11 =	vadd.f32 v11, v43  }
0x1e2: {  	v45 =	vshra.s32 v13, $0x1;
	v46 =	vmul.f32 $5.000000000e-01, v13  }
0x1e3: {  	v18 =	vmul.f32 v44, v18;
	v14 =	vsub.s32 $0x5F3759DF, v45;
	v11 =	vmax.f32 v11, $1.000000000e-30  }
0x1e4: {  	v47 =	vmul.f32 v14, v46;
	v48 =	vshra.s32 v11, $0x1;
	v49 =	vmul.f32 $5.000000000e-01, v11  }
0x1e5: {  	v18 =	vsub.f32 $1.500000000e+00, v18;
	v23 =	vsub.s32 $0x5F3759DF, v48  }
0x1e6: {  	v22 =	vmul.f32 v14, v47;
	v50 =	vmul.f32 v23, v49  }
0x1e7: {  	v17 =	vmul.f32 v44, v18  }
0x1e8: {  	v51 =	vsub.f32 $1.500000000e+00, v22;
	v52 =	vmul.f32 v23, v50  }
0x1e9: {  	v20 =	vmul.f32 v20, v15;
	v19 =	vmul.f32 v17, v42  }
0x1ea: {  	v14 =	vmul.f32 v14, v51;
	v53 =	vsub.f32 $1.500000000e+00, v52  }
0x1eb: {  	v20 =	vsub.f32 $1.500000000e+00, v20;
	v19 =	vmul.f32 v19, v17  }
0x1ec: {  	v21 =	vmul.f32 v14, v46;
	v18 =	vmul.f32 v23, v53  }
0x1ed: {  	v54 =	vmul.f32 v20, v15  }
0x1ee: {  	v19 =	vsub.f32 $1.500000000e+00, v19;
	v55 =	vmul.f32 v21, v14;
	v56 =	vmul.f32 v18, v49  }
0x1ef: {  	v10 =	vmul.f32 v54, v10  }
0x1f0: {  	v57 =	vmul.f32 v19, v17;
	v58 =	vsub.f32 $1.500000000e+00, v55;
	v59 =	vmul.f32 v56, v18  }
0x1f1: {  	v10 =	vadd.f32 v10, v12  }
0x1f2: {  	v60 =	vmul.f32 v57, v16;
	v14 =	vmul.f32 v58, v14;
	v61 =	vsub.f32 $1.500000000e+00, v59;
	_ =	sdelay $0x1  }
0x1f3: {  	v10 =	vadd.f32 v60, v10;
	v62 =	vmul.f32 v14, v13;
	v63 =	vmul.f32 v61, v18;
	_ =	sdelay $0x1  }
0x1f4: {  	v10 =	vadd.f32 v62, v10;
	v11 =	vmul.f32 v63, v11;
	_ =	sdelay $0x1  }
0x1f5: {  	v10 =	vadd.f32 v11, v10;
	_ =	sdelay $0x1  }
0x1f6: {  	v10 =	vmul.f32 v10, v8;
	_ =	sdelay $0x1  }
0x1f7: {  	s29 =	sadd.s32 $0x1, s29;
	v10 =	vadd.f32 v10, v9  }
0x1f8: {  	p0 =	sne.s32 s29, $0x7D  }
.Ltmp5:
0x1f9: {  	s0 =	sadd.s32 s4, s30;
	[tilespmem:$0x92C0] =	vst v10;
	(pc) =	sbr.rel @p0 .LBB2_2-.Ltmp5, $4  }
0x1fa: {  	[hbm4b:s0+s5] =	stream.linear.scatter [tilespmem:s26], [sflag:$0x3], $0x50, $0x38;
	[tilespmem:$0x9300] =	vst v63  }
0x1fb: {  	_ =	swait.ge [sflag:s15], $0x50  }
0x1fc: {  	[sflag:s15] =	ssyncset.done $0x0  }
0x1fd: {  	[sflag:s15] =	ssyncadd.s32 $0xFFFFFFB0  }
0x1fe: {  	s28 =	sadd.s32 $0x1, s28  }
0x1ff: {  	p0 =	sne.s32 s28, s13  }
.Ltmp6:
0x200: {  	_ = 	snop;
	(pc) =	sbr.rel @p0 .LBB2_1-.Ltmp6, $1  }
0x201: {  	_ =	sdelay $0x3  }
0x202: {  	_ =	sfence.sel $0x180000  }
0x203: {  	[bflag:$0x0] =	sbarrier.arrive $0xFFFF  }
0x204: {  	_ =	strace $0x90000047  }
0x205: {  	[bflag:$0x2] =	sbarrier.arrive $0xFFFF  }
0x206: {  	p0 =	sne.s32 s6, $0x0;
	s0 =	rddreg [dreg:$0x4]  }
0x207: {  	s0 =	sadd.s32 @!p0 $0x100000, s0  }
0x208: {  	[sflag:s0] =	ssyncadd.tile.s32 @!p0 $0x1;
	_ =	shalt  }
.Lfunc_end2:
_tile_overlayer_lowered:
.L_overlay_start_2:
0x209: {  	(tag) =	ssettag $0x2  }
0x20a: {  	s0 =	rddreg [dreg:$0x0];
	s2 =	stileid.u32  }
0x20b: {  	s1 =	rddreg [dreg:$0x1];
	p0 =	sne.s32 s2, $0x0  }
0x20c: {  	s3 =	rddreg [dreg:$0x2];
	[bflag:$0x3] =	sbarrier.arrive $0xFFFF;
	s2 =	simm.s32 @!p0 $0x1C03  }
0x20d: {  	[timem:s3], [sflag:s2] =	dma.local @!p0 [hbm:s0], s1  }
0x20e: {  	s0 =	simm.s32 @!p0 $0x3  }
0x20f: {  	_ =	swait.ge @!p0 [sflag:s0], s1  }
0x210: {  	s1 =	ssub.s32 @!p0 $0x0, s1;
	[sflag:s0] =	ssyncset.done @!p0 $0x0  }
0x211: {  	[sflag:s0] =	ssyncadd.s32 @!p0 s1  }
0x212: {  	[bflag:$0x3] =	sbarrier.arrive $0xFFFF  }
0x213: {  	_ =	shalt  }

</sc_bundles>
